<compile_context>
chip_gen: v7x
topology: tpu7x:2x2x1
jax: 0.10.2.dev20260603
libtpu: 0.0.44.dev20260713+nightly
codegen_flags: <defaults>
</compile_context>

<pallas_src>
import functools

import jax
import jax.numpy as jnp
from jax import lax
from jax.experimental import pallas as pl
from jax.experimental.pallas import tpu as pltpu
from jax.experimental.pallas import tpu_sc as plsc

_N = 8192
_LAT = 256
_DIM = 512
_NCB = 4096

_BN = 2048
_BK = 512
_NB = _N // _BN
_KB = _NCB // _BK

_NC = 2
_NS = 16
_NW = _NC * _NS
_BPW = _N // _NW
_CH = 128
_NCHUNK = _BPW // _CH


def _epilogue(mm, znorm, cnorm, iota_row, jjf):
    d = (znorm + cnorm) - 2.0 * mm
    lmin = jnp.min(d, axis=1, keepdims=True)
    cand = jnp.where(d == lmin, iota_row, float(_NCB))
    larg = jnp.min(cand, axis=1, keepdims=True) + jjf
    return lmin, larg


def _vq_tc_body(zr_ref, zi_ref, znorm_ref, cb_ref, cnorm_prev_ref,
                cnorm_cur_ref, iota_ref, idx_ref, dsum_ref, mm_ref,
                runmin_ref, runidx_ref, acc_ref):
    i = pl.program_id(0)
    j = pl.program_id(1)
    znorm = znorm_ref[...]
    iota_row = iota_ref[...]

    jjf = ((j - 1) * _BK).astype(jnp.float32)
    lmin, larg = _epilogue(mm_ref[...], znorm, cnorm_prev_ref[...],
                           iota_row, jjf)
    better = (lmin < runmin_ref[...]) | (j == 1)
    runmin_ref[...] = jnp.where(better, lmin, runmin_ref[...])
    runidx_ref[...] = jnp.where(better, larg, runidx_ref[...])

    cb = cb_ref[...]
    mm_ref[...] = (
        lax.dot_general(zr_ref[...], cb[:, :_LAT], (((1,), (1,)), ((), ())),
                        preferred_element_type=jnp.float32)
        + lax.dot_general(zi_ref[...], cb[:, _LAT:], (((1,), (1,)), ((), ())),
                          preferred_element_type=jnp.float32))

    @pl.when(j == _KB - 1)
    def _():
        lmin2, larg2 = _epilogue(mm_ref[...], znorm, cnorm_cur_ref[...],
                                 iota_row, jnp.float32(j * _BK))
        better2 = lmin2 < runmin_ref[...]
        fmin = jnp.where(better2, lmin2, runmin_ref[...])
        fidx = jnp.where(better2, larg2, runidx_ref[...]).astype(jnp.int32)
        idx_ref[...] = jnp.reshape(fidx, (_BN,))
        part = jnp.sum(fmin)
        prev = jnp.where(i == 0, 0.0, acc_ref[0])
        tot = prev + part
        acc_ref[0] = tot
        dsum_ref[...] = jnp.reshape(tot, (1, 1))


def _vq_argmin(z_r, z_i, znorm2d, cb, cnorm2d):
    idx2d, dsum = pl.pallas_call(
        _vq_tc_body,
        grid=(_NB, _KB),
        in_specs=[
            pl.BlockSpec((_BN, _LAT), lambda i, j: (i, 0)),
            pl.BlockSpec((_BN, _LAT), lambda i, j: (i, 0)),
            pl.BlockSpec((_BN, 1), lambda i, j: (i, 0)),
            pl.BlockSpec((_BK, _DIM), lambda i, j: (j, 0)),
            pl.BlockSpec((1, _BK), lambda i, j: (0, jnp.maximum(j - 1, 0))),
            pl.BlockSpec((1, _BK), lambda i, j: (0, j)),
            pl.BlockSpec((1, _BK), lambda i, j: (0, 0)),
        ],
        out_specs=[
            pl.BlockSpec((_BN,), lambda i, j: (i,)),
            pl.BlockSpec((1, 1), lambda i, j: (0, 0)),
        ],
        out_shape=[
            jax.ShapeDtypeStruct((_N,), jnp.int32),
            jax.ShapeDtypeStruct((1, 1), jnp.float32),
        ],
        scratch_shapes=[
            pltpu.VMEM((_BN, _BK), jnp.float32),
            pltpu.VMEM((_BN, 1), jnp.float32),
            pltpu.VMEM((_BN, 1), jnp.float32),
            pltpu.SMEM((1,), jnp.float32),
        ],
        compiler_params=pltpu.CompilerParams(
            dimension_semantics=("arbitrary", "arbitrary"),
        ),
    )(z_r, z_i, znorm2d, cb, cnorm2d, cnorm2d,
      jnp.arange(_BK, dtype=jnp.float32)[None, :])
    return idx2d, dsum[0, 0]


def _sc_gather_one(cb_r, cb_i, idx):
    mesh = plsc.VectorSubcoreMesh(core_axis_name="c", subcore_axis_name="s")

    @functools.partial(
        pl.kernel,
        out_type=[
            jax.ShapeDtypeStruct((_N, _LAT), jnp.float32),
            jax.ShapeDtypeStruct((_N, _LAT), jnp.float32),
        ],
        mesh=mesh,
        scratch_types=[
            pltpu.VMEM((_CH,), jnp.int32),
            pltpu.VMEM((_CH, _LAT), jnp.float32),
            pltpu.VMEM((_CH, _LAT), jnp.float32),
            pltpu.SemaphoreType.DMA,
        ],
    )
    def k(cbr_hbm, cbi_hbm, idx_hbm, outr_hbm, outi_hbm,
          idx_v, rows_r, rows_i, sem):
        wid = lax.axis_index("s") * _NC + lax.axis_index("c")
        base = wid * _BPW
        for c in range(_NCHUNK):
            off = base + c * _CH
            pltpu.sync_copy(idx_hbm.at[pl.ds(off, _CH)], idx_v)
            cp_r = pltpu.async_copy(cbr_hbm.at[idx_v], rows_r, sem)
            cp_i = pltpu.async_copy(cbi_hbm.at[idx_v], rows_i, sem)
            cp_r.wait()
            cp_i.wait()
            pltpu.sync_copy(rows_r, outr_hbm.at[pl.ds(off, _CH)])
            pltpu.sync_copy(rows_i, outi_hbm.at[pl.ds(off, _CH)])

    return k(cb_r, cb_i, idx)


def kernel(z_fast_real, z_fast_imag, z_slow_real, z_slow_imag, cb_syn, cb_sem):
    zf = jnp.concatenate([z_fast_real, z_fast_imag], axis=-1)
    zs = jnp.concatenate([z_slow_real, z_slow_imag], axis=-1)
    znf = jnp.sum(zf ** 2, axis=1)[:, None]
    zns = jnp.sum(zs ** 2, axis=1)[:, None]
    cns = jnp.sum(cb_syn ** 2, axis=1)[None, :]
    cnm = jnp.sum(cb_sem ** 2, axis=1)[None, :]
    idx_syn, dsum_syn = _vq_argmin(z_fast_real, z_fast_imag, znf, cb_syn, cns)
    rs_r, rs_i = _sc_gather_one(cb_syn[:, :_LAT], cb_syn[:, _LAT:], idx_syn)
    idx_sem, dsum_sem = _vq_argmin(z_slow_real, z_slow_imag, zns, cb_sem, cnm)
    rm_r, rm_i = _sc_gather_one(cb_sem[:, :_LAT], cb_sem[:, _LAT:], idx_sem)
    loss = 1.25 * (dsum_syn + dsum_sem) / (_N * _DIM)
    zq_syn = lax.complex(rs_r, rs_i)
    zq_sem = lax.complex(rm_r, rm_i)
    return (zq_syn, zq_sem, loss, idx_syn, idx_sem)

# --- scband reference (transcript-rebuilt; emitter-appended) ---
"""Pipeline reference for scband-dual-scale-vq-24902220382644 (READ-ONLY COPY).

The authoritative reference and input builder live on the scoring server;
editing this copy changes nothing except your own understanding.
"""

import jax, jax.numpy as jnp
import numpy as np

N = 8192
LATENT = 256
DIM = LATENT * 2
N_SYN = 4096
N_SEM = 4096


def setup_inputs(seed: int = 0) -> dict:
    key = jax.random.key(seed)
    ks = jax.random.split(key, 6)
    return {
        "z_fast_real": jax.random.normal(ks[0], (N, LATENT), dtype=jnp.float32),
        "z_fast_imag": jax.random.normal(ks[1], (N, LATENT), dtype=jnp.float32),
        "z_slow_real": jax.random.normal(ks[2], (N, LATENT), dtype=jnp.float32),
        "z_slow_imag": jax.random.normal(ks[3], (N, LATENT), dtype=jnp.float32),
        "cb_syn": jax.random.normal(ks[4], (N_SYN, DIM), dtype=jnp.float32),
        "cb_sem": jax.random.normal(ks[5], (N_SEM, DIM), dtype=jnp.float32),
    }


def _vq_step(z_flat, codebook, latent_dim):
    # pairwise squared L2 distances: ||z||^2 + ||c||^2 - 2 z c^T
    d = (jnp.sum(z_flat ** 2, axis=1, keepdims=True)
         + jnp.sum(codebook ** 2, axis=1)
         - 2.0 * jnp.matmul(z_flat, codebook.T))
    idx = jnp.argmin(d, axis=1)
    z_q = jnp.take(codebook, idx, axis=0)
    loss = (jnp.mean((jax.lax.stop_gradient(z_q) - z_flat) ** 2)
            + 0.25 * jnp.mean((z_q - jax.lax.stop_gradient(z_flat)) ** 2))
    z_q_st = z_flat + jax.lax.stop_gradient(z_q - z_flat)
    zq_complex = z_q_st[..., :latent_dim] + 1j * z_q_st[..., latent_dim:]
    return zq_complex, loss, idx


def reference(z_fast_real, z_fast_imag, z_slow_real, z_slow_imag, cb_syn, cb_sem):
    latent_dim = z_fast_real.shape[-1]
    zf_flat = jnp.concatenate([z_fast_real, z_fast_imag], axis=-1)
    zs_flat = jnp.concatenate([z_slow_real, z_slow_imag], axis=-1)
    zq_syn, loss_syn, idx_syn = _vq_step(zf_flat, cb_syn, latent_dim)
    zq_sem, loss_sem, idx_sem = _vq_step(zs_flat, cb_sem, latent_dim)
    return (zq_syn, zq_sem, loss_syn + loss_sem, idx_syn, idx_sem)

if __name__ == "__main__":
    import jax
    _d = setup_inputs()
    print(jax.jit(kernel)(*tuple(_d.values())))

</pallas_src>

<mosaic_0001>
#map = affine_map<(d0, d1) -> (0, 0)>
#map1 = affine_map<(d0, d1) -> (0)>
module attributes {stable_mosaic.version = 14 : i64} {
  func.func @k(%arg0: i32, %arg1: i32, %arg2: memref<4096x256xf32, #tpu.memory_space<hbm>>, %arg3: memref<4096x256xf32, #tpu.memory_space<hbm>>, %arg4: memref<8192xi32, #tpu.memory_space<hbm>>, %arg5: memref<8192x256xf32, #tpu.memory_space<hbm>>, %arg6: memref<8192x256xf32, #tpu.memory_space<hbm>>, %arg7: memref<128xi32, #tpu.memory_space<vmem>>, %arg8: memref<128x256xf32, #tpu.memory_space<vmem>>, %arg9: memref<128x256xf32, #tpu.memory_space<vmem>>, %arg10: memref<!tpu.dma_semaphore, #tpu.memory_space<semaphore_mem>>) attributes {dimension_semantics = [#tpu.dimension_semantics<core_parallel>, #tpu.dimension_semantics<subcore_parallel>], iteration_bounds = array<i64: 2, 16>, scalar_prefetch = 0 : i64, scratch_operands = 4 : i64, tpu.core_type = #tpu.core_type<sc_vector_subcore>, window_params = [{transform_indices = #map}, {transform_indices = #map}, {transform_indices = #map1}, {transform_indices = #map}, {transform_indices = #map}]} {
    %mul3A = arith.constant 2 : i32
    %mul3A_0 = arith.muli %arg1, %mul3A : i32
    %add3A = arith.addi %mul3A_0, %arg0 : i32
    %mul3A_1 = arith.constant 256 : i32
    %mul3A_2 = arith.muli %add3A, %mul3A_1 : i32
    %add3A_3 = arith.constant 0 : i32
    %add3A_4 = arith.addi %mul3A_2, %add3A_3 : i32
    "tpu.region"() ({
      %run_scoped3A = tpu.sem_alloc : memref<!tpu.dma_semaphore, #tpu.memory_space<semaphore_mem>>
      %dma_start3A_29 = tpu.memref_slice %arg4[%add3A_4] : memref<8192xi32, #tpu.memory_space<hbm>> -> memref<128xi32, #tpu.memory_space<hbm>>
      %dma_start3A_30 = tpu.memref_slice %arg4[%add3A_4] : memref<8192xi32, #tpu.memory_space<hbm>> -> memref<128xi32, #tpu.memory_space<hbm>>
      tpu.enqueue_dma source(%dma_start3A_30 : memref<128xi32, #tpu.memory_space<hbm>>) target(%arg7 : memref<128xi32, #tpu.memory_space<vmem>>) target_semaphore(%run_scoped3A : memref<!tpu.dma_semaphore, #tpu.memory_space<semaphore_mem>>)
      %dma_wait3A_31 = tpu.memref_slice %arg4[%add3A_4] : memref<8192xi32, #tpu.memory_space<hbm>> -> memref<128xi32, #tpu.memory_space<hbm>>
      %dma_wait3A_32 = tpu.memref_slice %arg4[%add3A_4] : memref<8192xi32, #tpu.memory_space<hbm>> -> memref<128xi32, #tpu.memory_space<hbm>>
      tpu.wait_dma2 semaphore(%run_scoped3A : memref<!tpu.dma_semaphore, #tpu.memory_space<semaphore_mem>>) src(%dma_wait3A_32 : memref<128xi32, #tpu.memory_space<hbm>>) dst(%arg7 : memref<128xi32, #tpu.memory_space<vmem>>)
      tpu.yield
    }) : () -> ()
    %dma_start3A = arith.constant 0 : i32
    %dma_start3A_5 = arith.constant 0 : i32
    %dma_start3A_6 = tpu.memref_slice %arg2[%dma_start3A, %dma_start3A_5] : memref<4096x256xf32, #tpu.memory_space<hbm>> -> memref<4096x256xf32, #tpu.memory_space<hbm>>
    tpu.enqueue_indirect_dma source(%dma_start3A_6 : memref<4096x256xf32, #tpu.memory_space<hbm>>) target(%arg8 : memref<128x256xf32, #tpu.memory_space<vmem>>) offsets(%arg7 : memref<128xi32, #tpu.memory_space<vmem>>) semaphore(%arg10 : memref<!tpu.dma_semaphore, #tpu.memory_space<semaphore_mem>>)
    %dma_start3A_7 = arith.constant 0 : i32
    %dma_start3A_8 = arith.constant 0 : i32
    %dma_start3A_9 = tpu.memref_slice %arg3[%dma_start3A_7, %dma_start3A_8] : memref<4096x256xf32, #tpu.memory_space<hbm>> -> memref<4096x256xf32, #tpu.memory_space<hbm>>
    tpu.enqueue_indirect_dma source(%dma_start3A_9 : memref<4096x256xf32, #tpu.memory_space<hbm>>) target(%arg9 : memref<128x256xf32, #tpu.memory_space<vmem>>) offsets(%arg7 : memref<128xi32, #tpu.memory_space<vmem>>) semaphore(%arg10 : memref<!tpu.dma_semaphore, #tpu.memory_space<semaphore_mem>>)
    %dma_wait3A = arith.constant 0 : i32
    %dma_wait3A_10 = arith.constant 0 : i32
    %dma_wait3A_11 = tpu.memref_slice %arg2[%dma_wait3A, %dma_wait3A_10] : memref<4096x256xf32, #tpu.memory_space<hbm>> -> memref<4096x256xf32, #tpu.memory_space<hbm>>
    tpu.wait_indirect_dma semaphore(%arg10 : memref<!tpu.dma_semaphore, #tpu.memory_space<semaphore_mem>>) src(%dma_wait3A_11 : memref<4096x256xf32, #tpu.memory_space<hbm>>) dst(%arg8 : memref<128x256xf32, #tpu.memory_space<vmem>>)
    %dma_wait3A_12 = arith.constant 0 : i32
    %dma_wait3A_13 = arith.constant 0 : i32
    %dma_wait3A_14 = tpu.memref_slice %arg3[%dma_wait3A_12, %dma_wait3A_13] : memref<4096x256xf32, #tpu.memory_space<hbm>> -> memref<4096x256xf32, #tpu.memory_space<hbm>>
    tpu.wait_indirect_dma semaphore(%arg10 : memref<!tpu.dma_semaphore, #tpu.memory_space<semaphore_mem>>) src(%dma_wait3A_14 : memref<4096x256xf32, #tpu.memory_space<hbm>>) dst(%arg9 : memref<128x256xf32, #tpu.memory_space<vmem>>)
    "tpu.region"() ({
      %run_scoped3A = tpu.sem_alloc : memref<!tpu.dma_semaphore, #tpu.memory_space<semaphore_mem>>
      %dma_start3A_29 = arith.constant 0 : i32
      %dma_start3A_30 = tpu.memref_slice %arg5[%add3A_4, %dma_start3A_29] : memref<8192x256xf32, #tpu.memory_space<hbm>> -> memref<128x256xf32, #tpu.memory_space<hbm>>
      %dma_start3A_31 = arith.constant 0 : i32
      %dma_start3A_32 = tpu.memref_slice %arg5[%add3A_4, %dma_start3A_31] : memref<8192x256xf32, #tpu.memory_space<hbm>> -> memref<128x256xf32, #tpu.memory_space<hbm>>
      tpu.enqueue_dma source(%arg8 : memref<128x256xf32, #tpu.memory_space<vmem>>) target(%dma_start3A_32 : memref<128x256xf32, #tpu.memory_space<hbm>>) target_semaphore(%run_scoped3A : memref<!tpu.dma_semaphore, #tpu.memory_space<semaphore_mem>>)
      %dma_wait3A_33 = arith.constant 0 : i32
      %dma_wait3A_34 = tpu.memref_slice %arg5[%add3A_4, %dma_wait3A_33] : memref<8192x256xf32, #tpu.memory_space<hbm>> -> memref<128x256xf32, #tpu.memory_space<hbm>>
      %dma_wait3A_35 = arith.constant 0 : i32
      %dma_wait3A_36 = tpu.memref_slice %arg5[%add3A_4, %dma_wait3A_35] : memref<8192x256xf32, #tpu.memory_space<hbm>> -> memref<128x256xf32, #tpu.memory_space<hbm>>
      tpu.wait_dma2 semaphore(%run_scoped3A : memref<!tpu.dma_semaphore, #tpu.memory_space<semaphore_mem>>) src(%arg8 : memref<128x256xf32, #tpu.memory_space<vmem>>) dst(%dma_wait3A_36 : memref<128x256xf32, #tpu.memory_space<hbm>>)
      tpu.yield
    }) : () -> ()
    "tpu.region"() ({
      %run_scoped3A = tpu.sem_alloc : memref<!tpu.dma_semaphore, #tpu.memory_space<semaphore_mem>>
      %dma_start3A_29 = arith.constant 0 : i32
      %dma_start3A_30 = tpu.memref_slice %arg6[%add3A_4, %dma_start3A_29] : memref<8192x256xf32, #tpu.memory_space<hbm>> -> memref<128x256xf32, #tpu.memory_space<hbm>>
      %dma_start3A_31 = arith.constant 0 : i32
      %dma_start3A_32 = tpu.memref_slice %arg6[%add3A_4, %dma_start3A_31] : memref<8192x256xf32, #tpu.memory_space<hbm>> -> memref<128x256xf32, #tpu.memory_space<hbm>>
      tpu.enqueue_dma source(%arg9 : memref<128x256xf32, #tpu.memory_space<vmem>>) target(%dma_start3A_32 : memref<128x256xf32, #tpu.memory_space<hbm>>) target_semaphore(%run_scoped3A : memref<!tpu.dma_semaphore, #tpu.memory_space<semaphore_mem>>)
      %dma_wait3A_33 = arith.constant 0 : i32
      %dma_wait3A_34 = tpu.memref_slice %arg6[%add3A_4, %dma_wait3A_33] : memref<8192x256xf32, #tpu.memory_space<hbm>> -> memref<128x256xf32, #tpu.memory_space<hbm>>
      %dma_wait3A_35 = arith.constant 0 : i32
      %dma_wait3A_36 = tpu.memref_slice %arg6[%add3A_4, %dma_wait3A_35] : memref<8192x256xf32, #tpu.memory_space<hbm>> -> memref<128x256xf32, #tpu.memory_space<hbm>>
      tpu.wait_dma2 semaphore(%run_scoped3A : memref<!tpu.dma_semaphore, #tpu.memory_space<semaphore_mem>>) src(%arg9 : memref<128x256xf32, #tpu.memory_space<vmem>>) dst(%dma_wait3A_36 : memref<128x256xf32, #tpu.memory_space<hbm>>)
      tpu.yield
    }) : () -> ()
    %add3A_15 = arith.constant 128 : i32
    %add3A_16 = arith.addi %mul3A_2, %add3A_15 : i32
    "tpu.region"() ({
      %run_scoped3A = tpu.sem_alloc : memref<!tpu.dma_semaphore, #tpu.memory_space<semaphore_mem>>
      %dma_start3A_29 = tpu.memref_slice %arg4[%add3A_16] : memref<8192xi32, #tpu.memory_space<hbm>> -> memref<128xi32, #tpu.memory_space<hbm>>
      %dma_start3A_30 = tpu.memref_slice %arg4[%add3A_16] : memref<8192xi32, #tpu.memory_space<hbm>> -> memref<128xi32, #tpu.memory_space<hbm>>
      tpu.enqueue_dma source(%dma_start3A_30 : memref<128xi32, #tpu.memory_space<hbm>>) target(%arg7 : memref<128xi32, #tpu.memory_space<vmem>>) target_semaphore(%run_scoped3A : memref<!tpu.dma_semaphore, #tpu.memory_space<semaphore_mem>>)
      %dma_wait3A_31 = tpu.memref_slice %arg4[%add3A_16] : memref<8192xi32, #tpu.memory_space<hbm>> -> memref<128xi32, #tpu.memory_space<hbm>>
      %dma_wait3A_32 = tpu.memref_slice %arg4[%add3A_16] : memref<8192xi32, #tpu.memory_space<hbm>> -> memref<128xi32, #tpu.memory_space<hbm>>
      tpu.wait_dma2 semaphore(%run_scoped3A : memref<!tpu.dma_semaphore, #tpu.memory_space<semaphore_mem>>) src(%dma_wait3A_32 : memref<128xi32, #tpu.memory_space<hbm>>) dst(%arg7 : memref<128xi32, #tpu.memory_space<vmem>>)
      tpu.yield
    }) : () -> ()
    %dma_start3A_17 = arith.constant 0 : i32
    %dma_start3A_18 = arith.constant 0 : i32
    %dma_start3A_19 = tpu.memref_slice %arg2[%dma_start3A_17, %dma_start3A_18] : memref<4096x256xf32, #tpu.memory_space<hbm>> -> memref<4096x256xf32, #tpu.memory_space<hbm>>
    tpu.enqueue_indirect_dma source(%dma_start3A_19 : memref<4096x256xf32, #tpu.memory_space<hbm>>) target(%arg8 : memref<128x256xf32, #tpu.memory_space<vmem>>) offsets(%arg7 : memref<128xi32, #tpu.memory_space<vmem>>) semaphore(%arg10 : memref<!tpu.dma_semaphore, #tpu.memory_space<semaphore_mem>>)
    %dma_start3A_20 = arith.constant 0 : i32
    %dma_start3A_21 = arith.constant 0 : i32
    %dma_start3A_22 = tpu.memref_slice %arg3[%dma_start3A_20, %dma_start3A_21] : memref<4096x256xf32, #tpu.memory_space<hbm>> -> memref<4096x256xf32, #tpu.memory_space<hbm>>
    tpu.enqueue_indirect_dma source(%dma_start3A_22 : memref<4096x256xf32, #tpu.memory_space<hbm>>) target(%arg9 : memref<128x256xf32, #tpu.memory_space<vmem>>) offsets(%arg7 : memref<128xi32, #tpu.memory_space<vmem>>) semaphore(%arg10 : memref<!tpu.dma_semaphore, #tpu.memory_space<semaphore_mem>>)
    %dma_wait3A_23 = arith.constant 0 : i32
    %dma_wait3A_24 = arith.constant 0 : i32
    %dma_wait3A_25 = tpu.memref_slice %arg2[%dma_wait3A_23, %dma_wait3A_24] : memref<4096x256xf32, #tpu.memory_space<hbm>> -> memref<4096x256xf32, #tpu.memory_space<hbm>>
    tpu.wait_indirect_dma semaphore(%arg10 : memref<!tpu.dma_semaphore, #tpu.memory_space<semaphore_mem>>) src(%dma_wait3A_25 : memref<4096x256xf32, #tpu.memory_space<hbm>>) dst(%arg8 : memref<128x256xf32, #tpu.memory_space<vmem>>)
    %dma_wait3A_26 = arith.constant 0 : i32
    %dma_wait3A_27 = arith.constant 0 : i32
    %dma_wait3A_28 = tpu.memref_slice %arg3[%dma_wait3A_26, %dma_wait3A_27] : memref<4096x256xf32, #tpu.memory_space<hbm>> -> memref<4096x256xf32, #tpu.memory_space<hbm>>
    tpu.wait_indirect_dma semaphore(%arg10 : memref<!tpu.dma_semaphore, #tpu.memory_space<semaphore_mem>>) src(%dma_wait3A_28 : memref<4096x256xf32, #tpu.memory_space<hbm>>) dst(%arg9 : memref<128x256xf32, #tpu.memory_space<vmem>>)
    "tpu.region"() ({
      %run_scoped3A = tpu.sem_alloc : memref<!tpu.dma_semaphore, #tpu.memory_space<semaphore_mem>>
      %dma_start3A_29 = arith.constant 0 : i32
      %dma_start3A_30 = tpu.memref_slice %arg5[%add3A_16, %dma_start3A_29] : memref<8192x256xf32, #tpu.memory_space<hbm>> -> memref<128x256xf32, #tpu.memory_space<hbm>>
      %dma_start3A_31 = arith.constant 0 : i32
      %dma_start3A_32 = tpu.memref_slice %arg5[%add3A_16, %dma_start3A_31] : memref<8192x256xf32, #tpu.memory_space<hbm>> -> memref<128x256xf32, #tpu.memory_space<hbm>>
      tpu.enqueue_dma source(%arg8 : memref<128x256xf32, #tpu.memory_space<vmem>>) target(%dma_start3A_32 : memref<128x256xf32, #tpu.memory_space<hbm>>) target_semaphore(%run_scoped3A : memref<!tpu.dma_semaphore, #tpu.memory_space<semaphore_mem>>)
      %dma_wait3A_33 = arith.constant 0 : i32
      %dma_wait3A_34 = tpu.memref_slice %arg5[%add3A_16, %dma_wait3A_33] : memref<8192x256xf32, #tpu.memory_space<hbm>> -> memref<128x256xf32, #tpu.memory_space<hbm>>
      %dma_wait3A_35 = arith.constant 0 : i32
      %dma_wait3A_36 = tpu.memref_slice %arg5[%add3A_16, %dma_wait3A_35] : memref<8192x256xf32, #tpu.memory_space<hbm>> -> memref<128x256xf32, #tpu.memory_space<hbm>>
      tpu.wait_dma2 semaphore(%run_scoped3A : memref<!tpu.dma_semaphore, #tpu.memory_space<semaphore_mem>>) src(%arg8 : memref<128x256xf32, #tpu.memory_space<vmem>>) dst(%dma_wait3A_36 : memref<128x256xf32, #tpu.memory_space<hbm>>)
      tpu.yield
    }) : () -> ()
    "tpu.region"() ({
      %run_scoped3A = tpu.sem_alloc : memref<!tpu.dma_semaphore, #tpu.memory_space<semaphore_mem>>
      %dma_start3A_29 = arith.constant 0 : i32
      %dma_start3A_30 = tpu.memref_slice %arg6[%add3A_16, %dma_start3A_29] : memref<8192x256xf32, #tpu.memory_space<hbm>> -> memref<128x256xf32, #tpu.memory_space<hbm>>
      %dma_start3A_31 = arith.constant 0 : i32
      %dma_start3A_32 = tpu.memref_slice %arg6[%add3A_16, %dma_start3A_31] : memref<8192x256xf32, #tpu.memory_space<hbm>> -> memref<128x256xf32, #tpu.memory_space<hbm>>
      tpu.enqueue_dma source(%arg9 : memref<128x256xf32, #tpu.memory_space<vmem>>) target(%dma_start3A_32 : memref<128x256xf32, #tpu.memory_space<hbm>>) target_semaphore(%run_scoped3A : memref<!tpu.dma_semaphore, #tpu.memory_space<semaphore_mem>>)
      %dma_wait3A_33 = arith.constant 0 : i32
      %dma_wait3A_34 = tpu.memref_slice %arg6[%add3A_16, %dma_wait3A_33] : memref<8192x256xf32, #tpu.memory_space<hbm>> -> memref<128x256xf32, #tpu.memory_space<hbm>>
      %dma_wait3A_35 = arith.constant 0 : i32
      %dma_wait3A_36 = tpu.memref_slice %arg6[%add3A_16, %dma_wait3A_35] : memref<8192x256xf32, #tpu.memory_space<hbm>> -> memref<128x256xf32, #tpu.memory_space<hbm>>
      tpu.wait_dma2 semaphore(%run_scoped3A : memref<!tpu.dma_semaphore, #tpu.memory_space<semaphore_mem>>) src(%arg9 : memref<128x256xf32, #tpu.memory_space<vmem>>) dst(%dma_wait3A_36 : memref<128x256xf32, #tpu.memory_space<hbm>>)
      tpu.yield
    }) : () -> ()
    return
  }
}

#map = affine_map<(d0, d1) -> (0, 0)>
#map1 = affine_map<(d0, d1) -> (0)>
module attributes {stable_mosaic.version = 14 : i64} {
  func.func @k(%arg0: i32, %arg1: i32, %arg2: memref<4096x256xf32, #tpu.memory_space<hbm>>, %arg3: memref<4096x256xf32, #tpu.memory_space<hbm>>, %arg4: memref<8192xi32, #tpu.memory_space<hbm>>, %arg5: memref<8192x256xf32, #tpu.memory_space<hbm>>, %arg6: memref<8192x256xf32, #tpu.memory_space<hbm>>, %arg7: memref<128xi32, #tpu.memory_space<vmem>>, %arg8: memref<128x256xf32, #tpu.memory_space<vmem>>, %arg9: memref<128x256xf32, #tpu.memory_space<vmem>>, %arg10: memref<!tpu.dma_semaphore, #tpu.memory_space<semaphore_mem>>) attributes {dimension_semantics = [#tpu.dimension_semantics<core_parallel>, #tpu.dimension_semantics<subcore_parallel>], iteration_bounds = array<i64: 2, 16>, scalar_prefetch = 0 : i64, scratch_operands = 4 : i64, tpu.core_type = #tpu.core_type<sc_vector_subcore>, window_params = [{transform_indices = #map}, {transform_indices = #map}, {transform_indices = #map1}, {transform_indices = #map}, {transform_indices = #map}]} {
    %mul3A = arith.constant 2 : i32
    %mul3A_0 = arith.muli %arg1, %mul3A : i32
    %add3A = arith.addi %mul3A_0, %arg0 : i32
    %mul3A_1 = arith.constant 256 : i32
    %mul3A_2 = arith.muli %add3A, %mul3A_1 : i32
    %add3A_3 = arith.constant 0 : i32
    %add3A_4 = arith.addi %mul3A_2, %add3A_3 : i32
    "tpu.region"() ({
      %run_scoped3A = tpu.sem_alloc : memref<!tpu.dma_semaphore, #tpu.memory_space<semaphore_mem>>
      %dma_start3A_29 = tpu.memref_slice %arg4[%add3A_4] : memref<8192xi32, #tpu.memory_space<hbm>> -> memref<128xi32, #tpu.memory_space<hbm>>
      %dma_start3A_30 = tpu.memref_slice %arg4[%add3A_4] : memref<8192xi32, #tpu.memory_space<hbm>> -> memref<128xi32, #tpu.memory_space<hbm>>
      tpu.enqueue_dma source(%dma_start3A_30 : memref<128xi32, #tpu.memory_space<hbm>>) target(%arg7 : memref<128xi32, #tpu.memory_space<vmem>>) target_semaphore(%run_scoped3A : memref<!tpu.dma_semaphore, #tpu.memory_space<semaphore_mem>>)
      %dma_wait3A_31 = tpu.memref_slice %arg4[%add3A_4] : memref<8192xi32, #tpu.memory_space<hbm>> -> memref<128xi32, #tpu.memory_space<hbm>>
      %dma_wait3A_32 = tpu.memref_slice %arg4[%add3A_4] : memref<8192xi32, #tpu.memory_space<hbm>> -> memref<128xi32, #tpu.memory_space<hbm>>
      tpu.wait_dma2 semaphore(%run_scoped3A : memref<!tpu.dma_semaphore, #tpu.memory_space<semaphore_mem>>) src(%dma_wait3A_32 : memref<128xi32, #tpu.memory_space<hbm>>) dst(%arg7 : memref<128xi32, #tpu.memory_space<vmem>>)
      tpu.yield
    }) : () -> ()
    %dma_start3A = arith.constant 0 : i32
    %dma_start3A_5 = arith.constant 0 : i32
    %dma_start3A_6 = tpu.memref_slice %arg2[%dma_start3A, %dma_start3A_5] : memref<4096x256xf32, #tpu.memory_space<hbm>> -> memref<4096x256xf32, #tpu.memory_space<hbm>>
    tpu.enqueue_indirect_dma source(%dma_start3A_6 : memref<4096x256xf32, #tpu.memory_space<hbm>>) target(%arg8 : memref<128x256xf32, #tpu.memory_space<vmem>>) offsets(%arg7 : memref<128xi32, #tpu.memory_space<vmem>>) semaphore(%arg10 : memref<!tpu.dma_semaphore, #tpu.memory_space<semaphore_mem>>)
    %dma_start3A_7 = arith.constant 0 : i32
    %dma_start3A_8 = arith.constant 0 : i32
    %dma_start3A_9 = tpu.memref_slice %arg3[%dma_start3A_7, %dma_start3A_8] : memref<4096x256xf32, #tpu.memory_space<hbm>> -> memref<4096x256xf32, #tpu.memory_space<hbm>>
    tpu.enqueue_indirect_dma source(%dma_start3A_9 : memref<4096x256xf32, #tpu.memory_space<hbm>>) target(%arg9 : memref<128x256xf32, #tpu.memory_space<vmem>>) offsets(%arg7 : memref<128xi32, #tpu.memory_space<vmem>>) semaphore(%arg10 : memref<!tpu.dma_semaphore, #tpu.memory_space<semaphore_mem>>)
    %dma_wait3A = arith.constant 0 : i32
    %dma_wait3A_10 = arith.constant 0 : i32
    %dma_wait3A_11 = tpu.memref_slice %arg2[%dma_wait3A, %dma_wait3A_10] : memref<4096x256xf32, #tpu.memory_space<hbm>> -> memref<4096x256xf32, #tpu.memory_space<hbm>>
    tpu.wait_indirect_dma semaphore(%arg10 : memref<!tpu.dma_semaphore, #tpu.memory_space<semaphore_mem>>) src(%dma_wait3A_11 : memref<4096x256xf32, #tpu.memory_space<hbm>>) dst(%arg8 : memref<128x256xf32, #tpu.memory_space<vmem>>)
    %dma_wait3A_12 = arith.constant 0 : i32
    %dma_wait3A_13 = arith.constant 0 : i32
    %dma_wait3A_14 = tpu.memref_slice %arg3[%dma_wait3A_12, %dma_wait3A_13] : memref<4096x256xf32, #tpu.memory_space<hbm>> -> memref<4096x256xf32, #tpu.memory_space<hbm>>
    tpu.wait_indirect_dma semaphore(%arg10 : memref<!tpu.dma_semaphore, #tpu.memory_space<semaphore_mem>>) src(%dma_wait3A_14 : memref<4096x256xf32, #tpu.memory_space<hbm>>) dst(%arg9 : memref<128x256xf32, #tpu.memory_space<vmem>>)
    "tpu.region"() ({
      %run_scoped3A = tpu.sem_alloc : memref<!tpu.dma_semaphore, #tpu.memory_space<semaphore_mem>>
      %dma_start3A_29 = arith.constant 0 : i32
      %dma_start3A_30 = tpu.memref_slice %arg5[%add3A_4, %dma_start3A_29] : memref<8192x256xf32, #tpu.memory_space<hbm>> -> memref<128x256xf32, #tpu.memory_space<hbm>>
      %dma_start3A_31 = arith.constant 0 : i32
      %dma_start3A_32 = tpu.memref_slice %arg5[%add3A_4, %dma_start3A_31] : memref<8192x256xf32, #tpu.memory_space<hbm>> -> memref<128x256xf32, #tpu.memory_space<hbm>>
      tpu.enqueue_dma source(%arg8 : memref<128x256xf32, #tpu.memory_space<vmem>>) target(%dma_start3A_32 : memref<128x256xf32, #tpu.memory_space<hbm>>) target_semaphore(%run_scoped3A : memref<!tpu.dma_semaphore, #tpu.memory_space<semaphore_mem>>)
      %dma_wait3A_33 = arith.constant 0 : i32
      %dma_wait3A_34 = tpu.memref_slice %arg5[%add3A_4, %dma_wait3A_33] : memref<8192x256xf32, #tpu.memory_space<hbm>> -> memref<128x256xf32, #tpu.memory_space<hbm>>
      %dma_wait3A_35 = arith.constant 0 : i32
      %dma_wait3A_36 = tpu.memref_slice %arg5[%add3A_4, %dma_wait3A_35] : memref<8192x256xf32, #tpu.memory_space<hbm>> -> memref<128x256xf32, #tpu.memory_space<hbm>>
      tpu.wait_dma2 semaphore(%run_scoped3A : memref<!tpu.dma_semaphore, #tpu.memory_space<semaphore_mem>>) src(%arg8 : memref<128x256xf32, #tpu.memory_space<vmem>>) dst(%dma_wait3A_36 : memref<128x256xf32, #tpu.memory_space<hbm>>)
      tpu.yield
    }) : () -> ()
    "tpu.region"() ({
      %run_scoped3A = tpu.sem_alloc : memref<!tpu.dma_semaphore, #tpu.memory_space<semaphore_mem>>
      %dma_start3A_29 = arith.constant 0 : i32
      %dma_start3A_30 = tpu.memref_slice %arg6[%add3A_4, %dma_start3A_29] : memref<8192x256xf32, #tpu.memory_space<hbm>> -> memref<128x256xf32, #tpu.memory_space<hbm>>
      %dma_start3A_31 = arith.constant 0 : i32
      %dma_start3A_32 = tpu.memref_slice %arg6[%add3A_4, %dma_start3A_31] : memref<8192x256xf32, #tpu.memory_space<hbm>> -> memref<128x256xf32, #tpu.memory_space<hbm>>
      tpu.enqueue_dma source(%arg9 : memref<128x256xf32, #tpu.memory_space<vmem>>) target(%dma_start3A_32 : memref<128x256xf32, #tpu.memory_space<hbm>>) target_semaphore(%run_scoped3A : memref<!tpu.dma_semaphore, #tpu.memory_space<semaphore_mem>>)
      %dma_wait3A_33 = arith.constant 0 : i32
      %dma_wait3A_34 = tpu.memref_slice %arg6[%add3A_4, %dma_wait3A_33] : memref<8192x256xf32, #tpu.memory_space<hbm>> -> memref<128x256xf32, #tpu.memory_space<hbm>>
      %dma_wait3A_35 = arith.constant 0 : i32
      %dma_wait3A_36 = tpu.memref_slice %arg6[%add3A_4, %dma_wait3A_35] : memref<8192x256xf32, #tpu.memory_space<hbm>> -> memref<128x256xf32, #tpu.memory_space<hbm>>
      tpu.wait_dma2 semaphore(%run_scoped3A : memref<!tpu.dma_semaphore, #tpu.memory_space<semaphore_mem>>) src(%arg9 : memref<128x256xf32, #tpu.memory_space<vmem>>) dst(%dma_wait3A_36 : memref<128x256xf32, #tpu.memory_space<hbm>>)
      tpu.yield
    }) : () -> ()
    %add3A_15 = arith.constant 128 : i32
    %add3A_16 = arith.addi %mul3A_2, %add3A_15 : i32
    "tpu.region"() ({
      %run_scoped3A = tpu.sem_alloc : memref<!tpu.dma_semaphore, #tpu.memory_space<semaphore_mem>>
      %dma_start3A_29 = tpu.memref_slice %arg4[%add3A_16] : memref<8192xi32, #tpu.memory_space<hbm>> -> memref<128xi32, #tpu.memory_space<hbm>>
      %dma_start3A_30 = tpu.memref_slice %arg4[%add3A_16] : memref<8192xi32, #tpu.memory_space<hbm>> -> memref<128xi32, #tpu.memory_space<hbm>>
      tpu.enqueue_dma source(%dma_start3A_30 : memref<128xi32, #tpu.memory_space<hbm>>) target(%arg7 : memref<128xi32, #tpu.memory_space<vmem>>) target_semaphore(%run_scoped3A : memref<!tpu.dma_semaphore, #tpu.memory_space<semaphore_mem>>)
      %dma_wait3A_31 = tpu.memref_slice %arg4[%add3A_16] : memref<8192xi32, #tpu.memory_space<hbm>> -> memref<128xi32, #tpu.memory_space<hbm>>
      %dma_wait3A_32 = tpu.memref_slice %arg4[%add3A_16] : memref<8192xi32, #tpu.memory_space<hbm>> -> memref<128xi32, #tpu.memory_space<hbm>>
      tpu.wait_dma2 semaphore(%run_scoped3A : memref<!tpu.dma_semaphore, #tpu.memory_space<semaphore_mem>>) src(%dma_wait3A_32 : memref<128xi32, #tpu.memory_space<hbm>>) dst(%arg7 : memref<128xi32, #tpu.memory_space<vmem>>)
      tpu.yield
    }) : () -> ()
    %dma_start3A_17 = arith.constant 0 : i32
    %dma_start3A_18 = arith.constant 0 : i32
    %dma_start3A_19 = tpu.memref_slice %arg2[%dma_start3A_17, %dma_start3A_18] : memref<4096x256xf32, #tpu.memory_space<hbm>> -> memref<4096x256xf32, #tpu.memory_space<hbm>>
    tpu.enqueue_indirect_dma source(%dma_start3A_19 : memref<4096x256xf32, #tpu.memory_space<hbm>>) target(%arg8 : memref<128x256xf32, #tpu.memory_space<vmem>>) offsets(%arg7 : memref<128xi32, #tpu.memory_space<vmem>>) semaphore(%arg10 : memref<!tpu.dma_semaphore, #tpu.memory_space<semaphore_mem>>)
    %dma_start3A_20 = arith.constant 0 : i32
    %dma_start3A_21 = arith.constant 0 : i32
    %dma_start3A_22 = tpu.memref_slice %arg3[%dma_start3A_20, %dma_start3A_21] : memref<4096x256xf32, #tpu.memory_space<hbm>> -> memref<4096x256xf32, #tpu.memory_space<hbm>>
    tpu.enqueue_indirect_dma source(%dma_start3A_22 : memref<4096x256xf32, #tpu.memory_space<hbm>>) target(%arg9 : memref<128x256xf32, #tpu.memory_space<vmem>>) offsets(%arg7 : memref<128xi32, #tpu.memory_space<vmem>>) semaphore(%arg10 : memref<!tpu.dma_semaphore, #tpu.memory_space<semaphore_mem>>)
    %dma_wait3A_23 = arith.constant 0 : i32
    %dma_wait3A_24 = arith.constant 0 : i32
    %dma_wait3A_25 = tpu.memref_slice %arg2[%dma_wait3A_23, %dma_wait3A_24] : memref<4096x256xf32, #tpu.memory_space<hbm>> -> memref<4096x256xf32, #tpu.memory_space<hbm>>
    tpu.wait_indirect_dma semaphore(%arg10 : memref<!tpu.dma_semaphore, #tpu.memory_space<semaphore_mem>>) src(%dma_wait3A_25 : memref<4096x256xf32, #tpu.memory_space<hbm>>) dst(%arg8 : memref<128x256xf32, #tpu.memory_space<vmem>>)
    %dma_wait3A_26 = arith.constant 0 : i32
    %dma_wait3A_27 = arith.constant 0 : i32
    %dma_wait3A_28 = tpu.memref_slice %arg3[%dma_wait3A_26, %dma_wait3A_27] : memref<4096x256xf32, #tpu.memory_space<hbm>> -> memref<4096x256xf32, #tpu.memory_space<hbm>>
    tpu.wait_indirect_dma semaphore(%arg10 : memref<!tpu.dma_semaphore, #tpu.memory_space<semaphore_mem>>) src(%dma_wait3A_28 : memref<4096x256xf32, #tpu.memory_space<hbm>>) dst(%arg9 : memref<128x256xf32, #tpu.memory_space<vmem>>)
    "tpu.region"() ({
      %run_scoped3A = tpu.sem_alloc : memref<!tpu.dma_semaphore, #tpu.memory_space<semaphore_mem>>
      %dma_start3A_29 = arith.constant 0 : i32
      %dma_start3A_30 = tpu.memref_slice %arg5[%add3A_16, %dma_start3A_29] : memref<8192x256xf32, #tpu.memory_space<hbm>> -> memref<128x256xf32, #tpu.memory_space<hbm>>
      %dma_start3A_31 = arith.constant 0 : i32
      %dma_start3A_32 = tpu.memref_slice %arg5[%add3A_16, %dma_start3A_31] : memref<8192x256xf32, #tpu.memory_space<hbm>> -> memref<128x256xf32, #tpu.memory_space<hbm>>
      tpu.enqueue_dma source(%arg8 : memref<128x256xf32, #tpu.memory_space<vmem>>) target(%dma_start3A_32 : memref<128x256xf32, #tpu.memory_space<hbm>>) target_semaphore(%run_scoped3A : memref<!tpu.dma_semaphore, #tpu.memory_space<semaphore_mem>>)
      %dma_wait3A_33 = arith.constant 0 : i32
      %dma_wait3A_34 = tpu.memref_slice %arg5[%add3A_16, %dma_wait3A_33] : memref<8192x256xf32, #tpu.memory_space<hbm>> -> memref<128x256xf32, #tpu.memory_space<hbm>>
      %dma_wait3A_35 = arith.constant 0 : i32
      %dma_wait3A_36 = tpu.memref_slice %arg5[%add3A_16, %dma_wait3A_35] : memref<8192x256xf32, #tpu.memory_space<hbm>> -> memref<128x256xf32, #tpu.memory_space<hbm>>
      tpu.wait_dma2 semaphore(%run_scoped3A : memref<!tpu.dma_semaphore, #tpu.memory_space<semaphore_mem>>) src(%arg8 : memref<128x256xf32, #tpu.memory_space<vmem>>) dst(%dma_wait3A_36 : memref<128x256xf32, #tpu.memory_space<hbm>>)
      tpu.yield
    }) : () -> ()
    "tpu.region"() ({
      %run_scoped3A = tpu.sem_alloc : memref<!tpu.dma_semaphore, #tpu.memory_space<semaphore_mem>>
      %dma_start3A_29 = arith.constant 0 : i32
      %dma_start3A_30 = tpu.memref_slice %arg6[%add3A_16, %dma_start3A_29] : memref<8192x256xf32, #tpu.memory_space<hbm>> -> memref<128x256xf32, #tpu.memory_space<hbm>>
      %dma_start3A_31 = arith.constant 0 : i32
      %dma_start3A_32 = tpu.memref_slice %arg6[%add3A_16, %dma_start3A_31] : memref<8192x256xf32, #tpu.memory_space<hbm>> -> memref<128x256xf32, #tpu.memory_space<hbm>>
      tpu.enqueue_dma source(%arg9 : memref<128x256xf32, #tpu.memory_space<vmem>>) target(%dma_start3A_32 : memref<128x256xf32, #tpu.memory_space<hbm>>) target_semaphore(%run_scoped3A : memref<!tpu.dma_semaphore, #tpu.memory_space<semaphore_mem>>)
      %dma_wait3A_33 = arith.constant 0 : i32
      %dma_wait3A_34 = tpu.memref_slice %arg6[%add3A_16, %dma_wait3A_33] : memref<8192x256xf32, #tpu.memory_space<hbm>> -> memref<128x256xf32, #tpu.memory_space<hbm>>
      %dma_wait3A_35 = arith.constant 0 : i32
      %dma_wait3A_36 = tpu.memref_slice %arg6[%add3A_16, %dma_wait3A_35] : memref<8192x256xf32, #tpu.memory_space<hbm>> -> memref<128x256xf32, #tpu.memory_space<hbm>>
      tpu.wait_dma2 semaphore(%run_scoped3A : memref<!tpu.dma_semaphore, #tpu.memory_space<semaphore_mem>>) src(%arg9 : memref<128x256xf32, #tpu.memory_space<vmem>>) dst(%dma_wait3A_36 : memref<128x256xf32, #tpu.memory_space<hbm>>)
      tpu.yield
    }) : () -> ()
    return
  }
}

module attributes {stable_mosaic.version = 14 : i64} {
  func.func @_vq_tc_body(%arg0: i32, %arg1: i32, %arg2: memref<2048x256xf32, #tpu.memory_space<vmem>>, %arg3: memref<2048x256xf32, #tpu.memory_space<vmem>>, %arg4: memref<2048x1xf32, #tpu.memory_space<vmem>>, %arg5: memref<512x512xf32, #tpu.memory_space<vmem>>, %arg6: memref<1x512xf32, #tpu.memory_space<vmem>>, %arg7: memref<1x512xf32, #tpu.memory_space<vmem>>, %arg8: memref<1x512xf32, #tpu.memory_space<vmem>>, %arg9: memref<2048xi32, #tpu.memory_space<vmem>>, %arg10: memref<1x1xf32, #tpu.memory_space<vmem>>, %arg11: memref<2048x512xf32, #tpu.memory_space<vmem>>, %arg12: memref<2048x1xf32, #tpu.memory_space<vmem>>, %arg13: memref<2048x1xf32, #tpu.memory_space<vmem>>, %arg14: memref<1xf32, #tpu.memory_space<smem>>) attributes {dimension_semantics = [#tpu.dimension_semantics<arbitrary>, #tpu.dimension_semantics<arbitrary>], iteration_bounds = array<i64: 4, 8>, scalar_prefetch = 0 : i64, scratch_operands = 4 : i64, tpu.core_type = #tpu.core_type<tc>, window_params = [{transform_indices = @transform_0, window_bounds = array<i64: 2048, 256>}, {transform_indices = @transform_1, window_bounds = array<i64: 2048, 256>}, {transform_indices = @transform_2, window_bounds = array<i64: 2048, 1>}, {transform_indices = @transform_3, window_bounds = array<i64: 512, 512>}, {transform_indices = @transform_4, window_bounds = array<i64: 1, 512>}, {transform_indices = @transform_5, window_bounds = array<i64: 1, 512>}, {pipeline_mode = #tpu.pipeline_mode<synchronous>, transform_indices = @transform_6, window_bounds = array<i64: 1, 512>}, {transform_indices = @transform_7, window_bounds = array<i64: 2048>}, {pipeline_mode = #tpu.pipeline_mode<synchronous>, transform_indices = @transform_8, window_bounds = array<i64: 1, 1>}]} {
    %get3A = arith.constant 0 : index
    %get3A_0 = arith.constant 0 : index
    %get3A_1 = vector.load %arg4[%get3A, %get3A_0] : memref<2048x1xf32, #tpu.memory_space<vmem>>, vector<2048x1xf32>
    %get3A_2 = arith.constant 0 : index
    %get3A_3 = arith.constant 0 : index
    %get3A_4 = vector.load %arg8[%get3A_2, %get3A_3] : memref<1x512xf32, #tpu.memory_space<vmem>>, vector<1x512xf32>
    %sub3A = arith.constant 1 : i32
    %sub3A_5 = arith.subi %arg1, %sub3A : i32
    %mul3A = arith.constant 512 : i32
    %mul3A_6 = arith.muli %sub3A_5, %mul3A : i32
    %convert_element_type3A = arith.sitofp %mul3A_6 : i32 to f32
    %get3A_7 = arith.constant 0 : index
    %get3A_8 = arith.constant 0 : index
    %get3A_9 = vector.load %arg11[%get3A_7, %get3A_8] : memref<2048x512xf32, #tpu.memory_space<vmem>>, vector<2048x512xf32>
    %get3A_10 = arith.constant 0 : index
    %get3A_11 = arith.constant 0 : index
    %get3A_12 = vector.load %arg6[%get3A_10, %get3A_11] : memref<1x512xf32, #tpu.memory_space<vmem>>, vector<1x512xf32>
    %add3A = vector.broadcast %get3A_1 : vector<2048x1xf32> to vector<2048x512xf32>
    %add3A_13 = vector.broadcast %get3A_12 : vector<1x512xf32> to vector<2048x512xf32>
    %add3A_14 = arith.addf %add3A, %add3A_13 : vector<2048x512xf32>
    %mul3A_15 = arith.constant 2.000000e+00 : f32
    %mul3A_16 = vector.broadcast %mul3A_15 : f32 to vector<2048x512xf32>
    %mul3A_17 = arith.mulf %mul3A_16, %get3A_9 : vector<2048x512xf32>
    %sub3A_18 = arith.subf %add3A_14, %mul3A_17 : vector<2048x512xf32>
    %reduce_min3A = arith.constant dense<0x7F800000> : vector<2048xf32>
    %reduce_min3A_19 = vector.multi_reduction <minimumf>, %sub3A_18, %reduce_min3A [1] : vector<2048x512xf32> to vector<2048xf32>
    %broadcast_in_dim3A = vector.shape_cast %reduce_min3A_19 : vector<2048xf32> to vector<2048x1xf32>
    %eq3A = vector.broadcast %broadcast_in_dim3A : vector<2048x1xf32> to vector<2048x512xf32>
    %eq3A_20 = arith.cmpf oeq, %sub3A_18, %eq3A : vector<2048x512xf32>
    %jit3A = arith.constant 4.096000e+03 : f32
    %broadcast_in_dim3A_21 = vector.shape_cast %get3A_4 : vector<1x512xf32> to vector<1x512xf32>
    %broadcast_in_dim3A_22 = vector.broadcast %broadcast_in_dim3A_21 : vector<1x512xf32> to vector<2048x512xf32>
    %broadcast_in_dim3A_23 = vector.broadcast %jit3A : f32 to vector<2048x512xf32>
    %select_n3A = arith.select %eq3A_20, %broadcast_in_dim3A_22, %broadcast_in_dim3A_23 : vector<2048x512xi1>, vector<2048x512xf32>
    %reduce_min3A_24 = arith.constant dense<0x7F800000> : vector<2048xf32>
    %reduce_min3A_25 = vector.multi_reduction <minimumf>, %select_n3A, %reduce_min3A_24 [1] : vector<2048x512xf32> to vector<2048xf32>
    %broadcast_in_dim3A_26 = vector.shape_cast %reduce_min3A_25 : vector<2048xf32> to vector<2048x1xf32>
    %add3A_27 = vector.broadcast %convert_element_type3A : f32 to vector<2048x1xf32>
    %add3A_28 = arith.addf %broadcast_in_dim3A_26, %add3A_27 : vector<2048x1xf32>
    %get3A_29 = arith.constant 0 : index
    %get3A_30 = arith.constant 0 : index
    %get3A_31 = vector.load %arg12[%get3A_29, %get3A_30] : memref<2048x1xf32, #tpu.memory_space<vmem>>, vector<2048x1xf32>
    %lt3A = arith.cmpf olt, %broadcast_in_dim3A, %get3A_31 : vector<2048x1xf32>
    %eq3A_32 = arith.constant 1 : i32
    %eq3A_33 = arith.cmpi eq, %arg1, %eq3A_32 : i32
    %or3A = vector.broadcast %eq3A_33 : i1 to vector<2048x1xi1>
    %or3A_34 = arith.ori %lt3A, %or3A : vector<2048x1xi1>
    %get3A_35 = arith.constant 0 : index
    %get3A_36 = arith.constant 0 : index
    %get3A_37 = vector.load %arg12[%get3A_35, %get3A_36] : memref<2048x1xf32, #tpu.memory_space<vmem>>, vector<2048x1xf32>
    %select_n3A_38 = arith.select %or3A_34, %broadcast_in_dim3A, %get3A_37 : vector<2048x1xi1>, vector<2048x1xf32>
    %swap3A = arith.constant 0 : index
    %swap3A_39 = arith.constant 0 : index
    %swap3A_40 = vector.load %arg12[%swap3A, %swap3A_39] : memref<2048x1xf32, #tpu.memory_space<vmem>>, vector<2048x1xf32>
    tpu.vector_store %arg12[%swap3A, %swap3A_39], %select_n3A_38 {strides = array<i32>} : memref<2048x1xf32, #tpu.memory_space<vmem>>, vector<2048x1xf32>,
    %get3A_41 = arith.constant 0 : index
    %get3A_42 = arith.constant 0 : index
    %get3A_43 = vector.load %arg13[%get3A_41, %get3A_42] : memref<2048x1xf32, #tpu.memory_space<vmem>>, vector<2048x1xf32>
    %select_n3A_44 = arith.select %or3A_34, %add3A_28, %get3A_43 : vector<2048x1xi1>, vector<2048x1xf32>
    %swap3A_45 = arith.constant 0 : index
    %swap3A_46 = arith.constant 0 : index
    %swap3A_47 = vector.load %arg13[%swap3A_45, %swap3A_46] : memref<2048x1xf32, #tpu.memory_space<vmem>>, vector<2048x1xf32>
    tpu.vector_store %arg13[%swap3A_45, %swap3A_46], %select_n3A_44 {strides = array<i32>} : memref<2048x1xf32, #tpu.memory_space<vmem>>, vector<2048x1xf32>,
    %get3A_48 = arith.constant 0 : index
    %get3A_49 = arith.constant 0 : index
    %get3A_50 = vector.load %arg5[%get3A_48, %get3A_49] : memref<512x512xf32, #tpu.memory_space<vmem>>, vector<512x512xf32>
    %get3A_51 = arith.constant 0 : index
    %get3A_52 = arith.constant 0 : index
    %get3A_53 = vector.load %arg2[%get3A_51, %get3A_52] : memref<2048x256xf32, #tpu.memory_space<vmem>>, vector<2048x256xf32>
    %slice3A = vector.extract_strided_slice %get3A_50 {offsets = [0, 0], sizes = [512, 256], strides = [1, 1]} : vector<512x512xf32> to vector<512x256xf32>
    %dot_general3A = arith.constant dense<0.000000e+00> : vector<2048x512xf32>
    %dot_general3A_54 = tpu.matmul %get3A_53, %slice3A, %dot_general3A {dimension_numbers = #tpu.dot_dimension_numbers<[1], [1], [0], [0], [0, 0, 1, 0], [], []>, transpose_lhs_hint = false} : vector<2048x256xf32>, vector<512x256xf32>, vector<2048x512xf32> -> vector<2048x512xf32>
    %get3A_55 = arith.constant 0 : index
    %get3A_56 = arith.constant 0 : index
    %get3A_57 = vector.load %arg3[%get3A_55, %get3A_56] : memref<2048x256xf32, #tpu.memory_space<vmem>>, vector<2048x256xf32>
    %slice3A_58 = vector.extract_strided_slice %get3A_50 {offsets = [0, 256], sizes = [512, 256], strides = [1, 1]} : vector<512x512xf32> to vector<512x256xf32>
    %dot_general3A_59 = arith.constant dense<0.000000e+00> : vector<2048x512xf32>
    %dot_general3A_60 = tpu.matmul %get3A_57, %slice3A_58, %dot_general3A_59 {dimension_numbers = #tpu.dot_dimension_numbers<[1], [1], [0], [0], [0, 0, 1, 0], [], []>, transpose_lhs_hint = false} : vector<2048x256xf32>, vector<512x256xf32>, vector<2048x512xf32> -> vector<2048x512xf32>
    %add3A_61 = arith.addf %dot_general3A_54, %dot_general3A_60 : vector<2048x512xf32>
    %swap3A_62 = arith.constant 0 : index
    %swap3A_63 = arith.constant 0 : index
    %swap3A_64 = vector.load %arg11[%swap3A_62, %swap3A_63] : memref<2048x512xf32, #tpu.memory_space<vmem>>, vector<2048x512xf32>
    tpu.vector_store %arg11[%swap3A_62, %swap3A_63], %add3A_61 {strides = array<i32>} : memref<2048x512xf32, #tpu.memory_space<vmem>>, vector<2048x512xf32>,
    %eq3A_65 = arith.constant 7 : i32
    %eq3A_66 = arith.cmpi eq, %arg1, %eq3A_65 : i32
    %convert_element_type3A_67 = arith.extui %eq3A_66 : i1 to i32
    %cond3A = arith.constant 0 : i32
    %cond3A_68 = arith.cmpi ne, %convert_element_type3A_67, %cond3A : i32
    scf.if %cond3A_68 {
      %get3A_69 = arith.constant 0 : index
      %get3A_70 = arith.constant 0 : index
      %get3A_71 = vector.load %arg11[%get3A_69, %get3A_70] : memref<2048x512xf32, #tpu.memory_space<vmem>>, vector<2048x512xf32>
      %get3A_72 = arith.constant 0 : index
      %get3A_73 = arith.constant 0 : index
      %get3A_74 = vector.load %arg7[%get3A_72, %get3A_73] : memref<1x512xf32, #tpu.memory_space<vmem>>, vector<1x512xf32>
      %mul3A_75 = arith.constant 512 : i32
      %mul3A_76 = arith.muli %arg1, %mul3A_75 : i32
      %convert_element_type3A_77 = arith.sitofp %mul3A_76 : i32 to f32
      %add3A_78 = vector.broadcast %get3A_1 : vector<2048x1xf32> to vector<2048x512xf32>
      %add3A_79 = vector.broadcast %get3A_74 : vector<1x512xf32> to vector<2048x512xf32>
      %add3A_80 = arith.addf %add3A_78, %add3A_79 : vector<2048x512xf32>
      %mul3A_81 = arith.constant 2.000000e+00 : f32
      %mul3A_82 = vector.broadcast %mul3A_81 : f32 to vector<2048x512xf32>
      %mul3A_83 = arith.mulf %mul3A_82, %get3A_71 : vector<2048x512xf32>
      %sub3A_84 = arith.subf %add3A_80, %mul3A_83 : vector<2048x512xf32>
      %reduce_min3A_85 = arith.constant dense<0x7F800000> : vector<2048xf32>
      %reduce_min3A_86 = vector.multi_reduction <minimumf>, %sub3A_84, %reduce_min3A_85 [1] : vector<2048x512xf32> to vector<2048xf32>
      %broadcast_in_dim3A_87 = vector.shape_cast %reduce_min3A_86 : vector<2048xf32> to vector<2048x1xf32>
      %eq3A_88 = vector.broadcast %broadcast_in_dim3A_87 : vector<2048x1xf32> to vector<2048x512xf32>
      %eq3A_89 = arith.cmpf oeq, %sub3A_84, %eq3A_88 : vector<2048x512xf32>
      %jit3A_90 = arith.constant 4.096000e+03 : f32
      %broadcast_in_dim3A_91 = vector.shape_cast %get3A_4 : vector<1x512xf32> to vector<1x512xf32>
      %broadcast_in_dim3A_92 = vector.broadcast %broadcast_in_dim3A_91 : vector<1x512xf32> to vector<2048x512xf32>
      %broadcast_in_dim3A_93 = vector.broadcast %jit3A_90 : f32 to vector<2048x512xf32>
      %select_n3A_94 = arith.select %eq3A_89, %broadcast_in_dim3A_92, %broadcast_in_dim3A_93 : vector<2048x512xi1>, vector<2048x512xf32>
      %reduce_min3A_95 = arith.constant dense<0x7F800000> : vector<2048xf32>
      %reduce_min3A_96 = vector.multi_reduction <minimumf>, %select_n3A_94, %reduce_min3A_95 [1] : vector<2048x512xf32> to vector<2048xf32>
      %broadcast_in_dim3A_97 = vector.shape_cast %reduce_min3A_96 : vector<2048xf32> to vector<2048x1xf32>
      %add3A_98 = vector.broadcast %convert_element_type3A_77 : f32 to vector<2048x1xf32>
      %add3A_99 = arith.addf %broadcast_in_dim3A_97, %add3A_98 : vector<2048x1xf32>
      %get3A_100 = arith.constant 0 : index
      %get3A_101 = arith.constant 0 : index
      %get3A_102 = vector.load %arg12[%get3A_100, %get3A_101] : memref<2048x1xf32, #tpu.memory_space<vmem>>, vector<2048x1xf32>
      %lt3A_103 = arith.cmpf olt, %broadcast_in_dim3A_87, %get3A_102 : vector<2048x1xf32>
      %get3A_104 = arith.constant 0 : index
      %get3A_105 = arith.constant 0 : index
      %get3A_106 = vector.load %arg12[%get3A_104, %get3A_105] : memref<2048x1xf32, #tpu.memory_space<vmem>>, vector<2048x1xf32>
      %select_n3A_107 = arith.select %lt3A_103, %broadcast_in_dim3A_87, %get3A_106 : vector<2048x1xi1>, vector<2048x1xf32>
      %get3A_108 = arith.constant 0 : index
      %get3A_109 = arith.constant 0 : index
      %get3A_110 = vector.load %arg13[%get3A_108, %get3A_109] : memref<2048x1xf32, #tpu.memory_space<vmem>>, vector<2048x1xf32>
      %select_n3A_111 = arith.select %lt3A_103, %add3A_99, %get3A_110 : vector<2048x1xi1>, vector<2048x1xf32>
      %convert_element_type3A_112 = arith.fptosi %select_n3A_111 : vector<2048x1xf32> to vector<2048x1xi32>
      %reshape3A = vector.shape_cast %convert_element_type3A_112 : vector<2048x1xi32> to vector<2048xi32>
      %swap3A_113 = arith.constant 0 : index
      %swap3A_114 = vector.load %arg9[%swap3A_113] : memref<2048xi32, #tpu.memory_space<vmem>>, vector<2048xi32>
      tpu.vector_store %arg9[%swap3A_113], %reshape3A {strides = array<i32>} : memref<2048xi32, #tpu.memory_space<vmem>>, vector<2048xi32>,
      %reduce_sum3A = vector.shape_cast %select_n3A_107 : vector<2048x1xf32> to vector<1x2048x1xf32>
      %reduce_sum3A_115 = arith.constant dense<0.000000e+00> : vector<1xf32>
      %reduce_sum3A_116 = vector.multi_reduction <add>, %reduce_sum3A, %reduce_sum3A_115 [1, 2] : vector<1x2048x1xf32> to vector<1xf32>
      %reduce_sum3A_117 = vector.shape_cast %reduce_sum3A_116 : vector<1xf32> to vector<1x1x1xf32>
      %reduce_sum3A_118 = vector.extract %reduce_sum3A_117[0, 0, 0] : f32 from vector<1x1x1xf32>
      %eq3A_119 = arith.constant 0 : i32
      %eq3A_120 = arith.cmpi eq, %arg0, %eq3A_119 : i32
      %get3A_121 = arith.constant 0 : index
      %get3A_122 = memref.load %arg14[%get3A_121] : memref<1xf32, #tpu.memory_space<smem>>
      %jit3A_123 = arith.constant 0.000000e+00 : f32
      %select_n3A_124 = arith.select %eq3A_120, %jit3A_123, %get3A_122 : f32
      %add3A_125 = arith.addf %select_n3A_124, %reduce_sum3A_118 : f32
      %swap3A_126 = arith.constant 0 : index
      %swap3A_127 = memref.load %arg14[%swap3A_126] : memref<1xf32, #tpu.memory_space<smem>>
      memref.store %add3A_125, %arg14[%swap3A_126] : memref<1xf32, #tpu.memory_space<smem>>
      %reshape3A_128 = vector.broadcast %add3A_125 : f32 to vector<1x1xf32>
      %swap3A_129 = arith.constant 0 : index
      %swap3A_130 = arith.constant 0 : index
      %swap3A_131 = vector.load %arg10[%swap3A_129, %swap3A_130] : memref<1x1xf32, #tpu.memory_space<vmem>>, vector<1x1xf32>
      tpu.vector_store %arg10[%swap3A_129, %swap3A_130], %reshape3A_128 {strides = array<i32>} : memref<1x1xf32, #tpu.memory_space<vmem>>, vector<1x1xf32>,
    } else {
    }
    return
  }
  func.func @transform_0(%arg0: i32, %arg1: i32) -> (i32, i32) {
    %c0_i32 = arith.constant 0 : i32
    %c0_i32_0 = arith.constant 0 : i32
    return %arg0, %c0_i32 : i32, i32
  }
  func.func @transform_1(%arg0: i32, %arg1: i32) -> (i32, i32) {
    %c0_i32 = arith.constant 0 : i32
    %c0_i32_0 = arith.constant 0 : i32
    return %arg0, %c0_i32 : i32, i32
  }
  func.func @transform_2(%arg0: i32, %arg1: i32) -> (i32, i32) {
    %c0_i32 = arith.constant 0 : i32
    %c0_i32_0 = arith.constant 0 : i32
    return %arg0, %c0_i32 : i32, i32
  }
  func.func @transform_3(%arg0: i32, %arg1: i32) -> (i32, i32) {
    %c0_i32 = arith.constant 0 : i32
    %c0_i32_0 = arith.constant 0 : i32
    return %arg1, %c0_i32 : i32, i32
  }
  func.func @transform_4(%arg0: i32, %arg1: i32) -> (i32, i32) {
    %sub3A = arith.constant 1 : i32
    %sub3A_0 = arith.subi %arg1, %sub3A : i32
    %max3A = arith.constant 0 : i32
    %max3A_1 = arith.maxsi %sub3A_0, %max3A : i32
    %c0_i32 = arith.constant 0 : i32
    %c0_i32_2 = arith.constant 0 : i32
    return %c0_i32, %max3A_1 : i32, i32
  }
  func.func @transform_5(%arg0: i32, %arg1: i32) -> (i32, i32) {
    %c0_i32 = arith.constant 0 : i32
    %c0_i32_0 = arith.constant 0 : i32
    return %c0_i32, %arg1 : i32, i32
  }
  func.func @transform_6(%arg0: i32, %arg1: i32) -> (i32, i32) {
    %c0_i32 = arith.constant 0 : i32
    %c0_i32_0 = arith.constant 0 : i32
    %c0_i32_1 = arith.constant 0 : i32
    return %c0_i32, %c0_i32_0 : i32, i32
  }
  func.func @transform_7(%arg0: i32, %arg1: i32) -> i32 {
    %c0_i32 = arith.constant 0 : i32
    return %arg0 : i32
  }
  func.func @transform_8(%arg0: i32, %arg1: i32) -> (i32, i32) {
    %c0_i32 = arith.constant 0 : i32
    %c0_i32_0 = arith.constant 0 : i32
    %c0_i32_1 = arith.constant 0 : i32
    return %c0_i32, %c0_i32_0 : i32, i32
  }
}

</mosaic_0001>

<sc_bundles>
// kernel: kernel.6.cloned.1.call-start
scs
__scs_entry_jumppad:
0x0: {  	(pc) =	sbr.rel $0x88, $3  }
0x1: {  	(tag) =	ssettag $0x0;
	lr =	simm.s32 $0x1  }
0x2: {  	[smem:$0x3F9B] =	sst lr;
	_ =	strace $0xD0000000  }
0x3: {  	_ = 	snop  }
0x4: {  	_ = 	snop  }
0x5: {  	_ = 	snop  }
0x6: {  	_ = 	snop  }
0x7: {  	_ = 	snop  }
__scs_overlays_trampoline_lowered:
0x8: {  	[smem:$0x3FAA] =	sst s0  }
0x9: {  	[smem:$0x3FAB] =	sst s1  }
0xa: {  	[smem:$0x3FAC] =	sst s2  }
0xb: {  	[smem:$0x3FAD] =	sst s3  }
0xc: {  	[smem:$0x3FAE] =	sst s4  }
0xd: {  	[smem:$0x3FAF] =	sst s5  }
0xe: {  	[smem:$0x3FB0] =	sst s6  }
0xf: {  	[smem:$0x3FB1] =	sst s7  }
0x10: {  	[smem:$0x3FB2] =	sst s8  }
0x11: {  	[smem:$0x3FB3] =	sst s9;
	s0 =	simm.s32 @!p0 $0x0  }
0x12: {  	s1 =	sld [smem:$0x3F99];
	s0 =	simm.s32 @p0 $0x1  }
0x13: {  	[smem:$0x3FB4] =	sst s0;
	s0 =	simm.s32 @!p1 $0x0  }
0x14: {  	s2 =	sld [smem:$0x3F98];
	s0 =	simm.s32 @p1 $0x1  }
0x15: {  	[smem:$0x3FB5] =	sst s0;
	s0 =	simm.s32 @!p2 $0x0  }
0x16: {  	s3 =	sld [smem:$0x3FDB];
	s0 =	simm.s32 @p2 $0x1  }
0x17: {  	s4 =	simm.s32 $0x1BF5;
	[smem:$0x3FB7] =	sst s0  }
0x18: {  	s0 =	sld [smem:$0x3F9A];
	_ =	swait.ge [sflag:s4], $0x0  }
0x19: {  	s7 =	sld [smem:$0x3F9B]  }
0x1a: {  	s8 =	sadd.s32 $0xFFFFE003, lr  }
0x1b: {  	s9 =	sadd.s32 $0xFFFFFEF7, lr;
	s5 =	simm.s32 $0xFFFFFFFF;
	p2 =	slt.u32 s8, $0xFFFFF086  }
0x1c: {  	p1 =	slt.u32 s9, $0xF7A;
	s5 =	simm.s32 @!p2 $0x0  }
0x1d: {  	s5 =	simm.s32 @p1 $0x1;
	p0 =	seq.s32 s7, s2  }
0x1e: {  	s7 =	smul.u32 @!p0 $0xF7A, s2;
	p2 =	seq.s32 @!p0 s5, $0x0  }
0x1f: {  	s9 =	smul.u32 $0xF7A, s1;
	s8 =	simm.s32 @!p0 $0x1BF5;
	p2 =	por !p2, p0  }
0x20: {  	[sflag:s8] =	ssyncset.s32 @!p0 $0xFFFFF086;
	s6 =	sadd.s32 @!p0 s3, s7;
	s7 =	simm.s32 @!p0 $0x108  }
0x21: {  	s3 =	sadd.s32 s3, s9;
	s6 =	sadd.s32 @!p0 $0x88, s6;
	s7 =	simm.s32 @p2 $0x1082  }
0x22: {  	[simem:s7], [sflag:s8] =	dma.local @!p0 [hbm:s6], $0xF7A  }
0x23: {  	s9 =	sor.u32 $0xD0000000, s2;
	s6 =	simm.s32 $0x108;
	_ =	swait.ge @!p0 [sflag:s8], $0x0  }
0x24: {  	s3 =	sadd.s32 $0x88, s3;
	s6 =	simm.s32 @!p1 $0x1082;
	[sflag:s4] =	ssyncset.s32 $0xFFFFF086  }
0x25: {  	[simem:s6], [sflag:s4] =	dma.local [hbm:s3], $0xF7A  }
0x26: {  	[smem:$0x3F9B] =	sst s1;
	(tag) =	ssettag s2;
	_ =	strace s9  }
0x27: {  	s1 =	sld [smem:$0x3FAB]  }
0x28: {  	s2 =	sld [smem:$0x3FAC]  }
0x29: {  	s4 =	sld [smem:$0x3FAE]  }
0x2a: {  	p0 =	seq.s32 s5, $0x0;
	s5 =	sld [smem:$0x3FAF]  }
0x2b: {  	s6 =	sld [smem:$0x3FB0]  }
0x2c: {  	s7 =	sld [smem:$0x3FB1]  }
0x2d: {  	s3 =	simm.s32 $0x108;
	s8 =	sld [smem:$0x3FB2]  }
0x2e: {  	s3 =	simm.s32 @!p0 $0x1082;
	s9 =	sld [smem:$0x3FB3]  }
0x2f: {  	lr =	sadd.s32 s0, s3;
	s0 =	sld [smem:$0x3FAA]  }
0x30: {  	s3 =	sld [smem:$0x3FAD]  }
0x31: {  	[smem:$0x3FB6] =	sst s10  }
0x32: {  	s10 =	sld [smem:$0x3FB4];
	_ =	sdelay $0x3  }
0x33: {  	p0 =	seq.s32 s10, $0x1;
	s10 =	sld [smem:$0x3FB6];
	_ =	sdelay $0x3  }
0x34: {  	[smem:$0x3FB6] =	sst s10  }
0x35: {  	s10 =	sld [smem:$0x3FB5];
	_ =	sdelay $0x3  }
0x36: {  	p1 =	seq.s32 s10, $0x1;
	s10 =	sld [smem:$0x3FB6];
	_ =	sdelay $0x3  }
0x37: {  	[smem:$0x3FB6] =	sst s10  }
0x38: {  	s10 =	sld [smem:$0x3FB7]  }
0x39: {  	_ = 	snop;
	(pc) =	sbr.ind lr, $3  }
0x3a: {  	_ = 	snop  }
0x3b: {  	_ = 	snop  }
0x3c: {  	p2 =	seq.s32 s10, $0x1;
	s10 =	sld [smem:$0x3FB6]  }
0x3d: {  	_ =	shalt  }
0x3e: {  	_ =	shalt  }
0x3f: {  	_ =	shalt  }
0x40: {  	_ =	shalt  }
0x41: {  	_ =	shalt  }
0x42: {  	_ =	shalt  }
0x43: {  	_ =	shalt  }
0x44: {  	_ =	shalt  }
0x45: {  	_ =	shalt  }
0x46: {  	_ =	shalt  }
0x47: {  	_ =	shalt  }
0x48: {  	_ =	shalt  }
0x49: {  	_ =	shalt  }
0x4a: {  	_ =	shalt  }
0x4b: {  	_ =	shalt  }
0x4c: {  	_ =	shalt  }
0x4d: {  	_ =	shalt  }
0x4e: {  	_ =	shalt  }
0x4f: {  	_ =	shalt  }
0x50: {  	_ =	shalt  }
0x51: {  	_ =	shalt  }
0x52: {  	_ =	shalt  }
0x53: {  	_ =	shalt  }
0x54: {  	_ =	shalt  }
0x55: {  	_ =	shalt  }
0x56: {  	_ =	shalt  }
0x57: {  	_ =	shalt  }
0x58: {  	_ =	shalt  }
0x59: {  	_ =	shalt  }
0x5a: {  	_ =	shalt  }
0x5b: {  	_ =	shalt  }
0x5c: {  	_ =	shalt  }
0x5d: {  	_ =	shalt  }
0x5e: {  	_ =	shalt  }
0x5f: {  	_ =	shalt  }
0x60: {  	_ =	shalt  }
0x61: {  	_ =	shalt  }
0x62: {  	_ =	shalt  }
0x63: {  	_ =	shalt  }
0x64: {  	_ =	shalt  }
0x65: {  	_ =	shalt  }
0x66: {  	_ =	shalt  }
0x67: {  	_ =	shalt  }
0x68: {  	_ =	shalt  }
0x69: {  	_ =	shalt  }
0x6a: {  	_ =	shalt  }
0x6b: {  	_ =	shalt  }
0x6c: {  	_ =	shalt  }
0x6d: {  	_ =	shalt  }
0x6e: {  	_ =	shalt  }
0x6f: {  	_ =	shalt  }
0x70: {  	_ =	shalt  }
0x71: {  	_ =	shalt  }
0x72: {  	_ =	shalt  }
0x73: {  	_ =	shalt  }
0x74: {  	_ =	shalt  }
0x75: {  	_ =	shalt  }
0x76: {  	_ =	shalt  }
0x77: {  	_ =	shalt  }
0x78: {  	_ =	shalt  }
0x79: {  	_ =	shalt  }
0x7a: {  	_ =	shalt  }
0x7b: {  	_ =	shalt  }
0x7c: {  	_ =	shalt  }
0x7d: {  	_ =	shalt  }
0x7e: {  	_ =	shalt  }
0x7f: {  	_ =	shalt  }
0x80: {  	_ =	shalt  }
0x81: {  	_ =	shalt  }
0x82: {  	_ =	shalt  }
0x83: {  	_ =	shalt  }
0x84: {  	_ =	shalt  }
0x85: {  	_ =	shalt  }
0x86: {  	_ =	shalt  }
0x87: {  	_ =	shalt  }
.Lfunc_end0:
.L_simem_size_0:
called_computation_lowered:
.L_overlay_start_0:
0x88: {  	s2 =	sld [smem:$0x3FD9]  }
0x89: {  	s3 =	sld [smem:$0x3FFE];
	_ =	sdelay $0x1  }
0x8a: {  	s1 =	srdreg.scid  }
0x8b: {  	s0 =	sand.u32 $0x1, s1  }
0x8c: {  	s15 =	sshll.u32 s0, $0xA;
	s2 =	sadd.s32 s3, s2  }
0x8d: {  	s2 =	sadd.s32 s2, s15  }
0x8e: {  	[smem:$0x3FC2] =	sst s2  }
0x8f: {  	_ = 	snop  }
0x90: {  	s2 =	sld [smem:$0x3FD0];
	_ =	sdelay $0x2  }
0x91: {  	s16 =	simm.s32 $0xB;
	s4 =	simm.s32 $0x10  }
0x92: {  	[smem:s4], [sflag:s16] =	dma.local [hbm:s2], $0x1  }
0x93: {  	_ =	swait.eq [sflag:s16], $0x1  }
0x94: {  	[sflag:s16] =	ssyncset.done $0x0  }
0x95: {  	[sflag:s16] =	ssyncadd.s32 $0xFFFFFFFF  }
0x96: {  	s17 =	sld [smem:$0x13];
	(tm) =	ssettm $0x1  }
0x97: {  	s18 =	sld [smem:$0x3FFB];
	_ =	sdelay $0x3  }
0x98: {  	_ =	strace s18  }
0x99: {  	s2 =	sld [smem:$0x3FFC];
	_ =	sdelay $0x3  }
0x9a: {  	_ =	strace s2  }
0x9b: {  	s2 =	sld [smem:$0x3FFD];
	_ =	sdelay $0x3  }
0x9c: {  	_ =	strace s2  }
0x9d: {  	_ =	strace $0x8FFFFFFF  }
0x9e: {  	s19 =	sld [smem:$0x3FDB];
	_ =	sdelay $0x1  }
0x9f: {  	s20 =	simm.s32 $_scs_section_size  }
0xa0: {  	s5 =	simm.s32 $_size__tile_overlayer_lowered;
	s6 =	simm.s32 $_tile_overlayer_lowered  }
0xa1: {  	s7 =	simm.s32 $0x1BFF;
	s21 =	sshll.u32 s6, $0x1;
	s4 =	sadd.s32 s20, s19  }
0xa2: {  	s22 =	simm.s32 $0x0;
	s5 =	sshll.u32 s5, $0x1;
	s6 =	sadd.s32 s21, s4  }
0xa3: {  	[timem:s22], [sflag:s7] =	dma.local [hbm:s6], s5  }
0xa4: {  	_ =	swait.ge [sflag:s7], s5  }
0xa5: {  	s5 =	ssub.s32 $0x0, s5;
	[sflag:s7] =	ssyncset.done $0x0  }
0xa6: {  	[sflag:s7] =	ssyncadd.s32 s5;
	_ =	sdelay $0x1  }
0xa7: {  	s23 =	simm.s32 $0x1B8B  }
0xa8: {  	_ =	swait.ge [sflag:s23], $0x1  }
0xa9: {  	[sflag:s23] =	ssyncset.done $0x0  }
0xaa: {  	[sflag:s23] =	ssyncadd.s32 $0xFFFFFFFF  }
0xab: {  	s5 =	sld [smem:$0x0]  }
0xac: {  	s6 =	sand.u32 $0xFFFFFFFE, s1  }
0xad: {  	p0 =	sne.s32 s1, s6  }
0xae: {  	s6 =	sshll.u32 @p0 s6, $0xE  }
0xaf: {  	s6 =	sadd.s32 @p0 $0x11B8D, s6;
	s7 =	sshll.u32 @p0 s5, $0x11  }
0xb0: {  	s6 =	sor.u32 @p0 s7, s6  }
0xb1: {  	[sflag:s6] =	ssyncadd.remote.s32 @p0 $0x1;
	_ =	sdelay $0x1  }
0xb2: {  	s6 =	simm.s32 @p0 $0x1B8D  }
0xb3: {  	_ =	swait.eq @p0 [sflag:s6], $0x1  }
0xb4: {  	[sflag:s6] =	ssyncadd.s32 @p0 $0xFFFFFFFF  }
0xb5: {  	s7 =	sshll.u32 @!p0 s1, $0xE  }
0xb6: {  	s7 =	sor.u32 @!p0 $0x4000, s7;
	s6 =	simm.s32 @!p0 $0x1B8D  }
0xb7: {  	s5 =	sshll.u32 @!p0 s5, $0x11;
	s7 =	sadd.s32 @!p0 $0x11B8D, s7;
	_ =	swait.eq @!p0 [sflag:s6], $0x1  }
0xb8: {  	s5 =	sor.u32 @!p0 s5, s7;
	[sflag:s6] =	ssyncadd.s32 @!p0 $0xFFFFFFFF  }
0xb9: {  	s25 =	simm.s32 $0x1B8E;
	s24 =	sld [smem:$0x3FFE];
	[sflag:s5] =	ssyncadd.remote.s32 @!p0 $0x1  }
0xba: {  	s26 =	simm.s32 $execute0_lowered;
	[smem:$0x3FD2] =	sst s25  }
0xbb: {  	s6 =	sshll.u32 s26, $0x1;
	_ =	strace $0x80000049;
	[dreg:$0x1] =	wrdreg $0xFFFFFFFF  }
0xbc: {  	s28 =	simm.s32 $_size_execute0_lowered;
	s4 =	sadd.s32 s4, s6;
	[dreg:$0x0] =	wrdreg $0x0  }
0xbd: {  	s6 =	sshll.u32 s28, $0x1;
	[dreg:$0x2] =	wrdreg s4  }
0xbe: {  	[dreg:$0x3] =	wrdreg s6  }
0xbf: {  	[dreg:$0x4] =	wrdreg $0xC0  }
0xc0: {  	_ =	task [dreg:s22], $0x5FFFF  }
0xc1: {  	[dreg:$0x1] =	wrdreg $0xFFFFFFFF  }
0xc2: {  	[dreg:$0x0] =	wrdreg $0x60  }
0xc3: {  	[dreg:$0x2] =	wrdreg s24  }
0xc4: {  	[dreg:$0x3] =	wrdreg s17  }
0xc5: {  	[dreg:$0x4] =	wrdreg $0x9  }
0xc6: {  	_ =	task.clear_ibuf [dreg:s22], $0x5FFFF;
	_ =	strace $0x90000049  }
0xc7: {  	s29 =	simm.s32 $0x9;
	_ =	strace $0x8000004B  }
0xc8: {  	_ =	swait.ge [sflag:s29], $0x1  }
0xc9: {  	[sflag:s29] =	ssyncadd.s32 $0xFFFFFFFF  }
0xca: {  	_ =	strace $0x9000004B  }
0xcb: {  	_ =	sfence  }
0xcc: {  	s30 =	sld [smem:$0x0];
	_ =	sdelay $0x2  }
0xcd: {  	s31 =	sshll.u32 s1, $0xD;
	s1 =	sshrl.u32 s1, $0x2  }
0xce: {  	s4 =	sand.u32 $0x4000, s31;
	s1 =	sadd.s32 s1, s30  }
0xcf: {  	s0 =	sor.u32 s4, s0;
	s1 =	sshll.u32 s1, $0x11  }
0xd0: {  	s0 =	sor.u32 s1, s0  }
0xd1: {  	s0 =	sadd.s32 $0x8F2B, s0  }
0xd2: {  	[sflag:s0] =	ssyncadd.remote.s32 $0x1  }
0xd3: {  	_ =	sfence.sel $0xFFFF  }
0xd4: {  	[dreg:$0x0] =	wrdreg $0xFFFFFFFF;
	(pc) =	sbr.abs _section_cstart, $3  }
0xd5: {  	[dreg:$0x1] =	wrdreg $0xFFFFFFFF  }
0xd6: {  	_ =	task.clear_ibuf [dreg:s22], $0x2FFFF;
	_ =	strace $0x9FFFFFFF  }
0xd7: {  	(tm) =	ssettm $0x7FFFFFFF  }
tec
execute0_lowered:
.L_overlay_start_1:
0x0: {  	(tag) =	ssettag $0x1  }
0x1: {  	s0 =	rddreg [dreg:$0x0]  }
0x2: {  	s1 =	rddreg [dreg:$0x1];
	s2 =	simm.s32 $0x0;
	s3 =	srdreg.scid  }
0x3: {  	s4 =	stileid.u32;
	s14 =	simm.s32 $0x1;
	s16 =	simm.s32 $0x880  }
0x4: {  	s17 =	simm.s32 $0x1080;
	s18 =	simm.s32 $0x1880;
	s19 =	simm.s32 $0x2080  }
0x5: {  	s20 =	simm.s32 $0x2880;
	s28 =	simm.s32 $0x5880;
	s29 =	simm.s32 $0x6080  }
0x6: {  	s30 =	simm.s32 $0x6880;
	s31 =	simm.s32 $0x7080;
	s10 =	simm.s32 $0xA080  }
0x7: {  	s11 =	simm.s32 $0xA880;
	s12 =	simm.s32 $0xB080;
	s13 =	simm.s32 $0xB880  }
0x8: {  	[smem:$0x7FF] =	sst s2;
	s5 =	sand.u32 $0x1, s3;
	s6 =	sshll.u32 s4, $0x9  }
0x9: {  	s3 =	sadd.s32 $0x82E00, s0;
	s4 =	sadd.s32 $0x62E00, s0;
	s21 =	sadd.s32 $0xA2E00, s0  }
0xa: {  	s0 =	sadd.s32 $0xE2E00, s0;
	s7 =	sshll.u32 s5, $0x8;
	s5 =	ssub.s32 $0x2, s5  }
0xb: {  	_ =	strace $0x8000004A;
	s6 =	sor.u32 s7, s6;
	s25 =	sshrl.u32 s5, $0x1  }
0xc: {  	s7 =	simm.s32 $0xC080;
	s8 =	sshrl.u32 s6, $0x3;
	s9 =	sshll.u32 s6, $0x5  }
0xd: {  	s6 =	sor.u32 $0x80, s6;
	s5 =	ssub.s32 s5, s25;
	s25 =	simm.s32 $0x4880  }
0xe: {  	s8 =	sadd.s32 s1, s8;
	s22 =	sadd.s32 s21, s9;
	s23 =	sadd.s32 s0, s9  }
0xf: {  	s24 =	sshrl.u32 s6, $0x3;
	s6 =	sshll.u32 s6, $0x5;
	[dreg:$0x3] =	wrdreg s8  }
0x10: {  	s5 =	smax.u32 s5, $0x1;
	s9 =	simm.s32 $0x9880;
	[dreg:$0x4] =	wrdreg s22  }
0x11: {  	[dreg:$0x5] =	wrdreg s23;
	s1 =	sadd.s32 s1, s24;
	s26 =	sadd.s32 s21, s6  }
0x12: {  	s0 =	sadd.s32 s0, s6;
	s6 =	simm.s32 $0x2;
	s21 =	simm.s32 $0x3080  }
0x13: {  	v2 =	vlaneseq.u32;
	s22 =	simm.s32 $0x3880;
	s24 =	simm.s32 $0x4080;
	[dreg:$0x6] =	wrdreg s1  }
0x14: {  	vm0 =	vmmov $0xffff;
	v1 =	vshrl.u32 v2, $0x3;
	s23 =	simm.s32 $0x7880;
	s8 =	simm.s32 $0x9080;
	[dreg:$0x7] =	wrdreg s26  }
0x15: {  	v0 =	vand.u32 $0x7, v2;
	v2 =	vor.u32 $0x8, v2;
	v1 =	vmul.u32 $0x8, v1;
	[dreg:$0x8] =	wrdreg s0;
	s26 =	simm.s32 $0x5080;
	s1 =	simm.s32 $0x8080  }
.LBB2_1:
0x16: {  	s15 =	rddreg [dreg:$0x3]  }
0x17: {  	[tilespmem:s2], [sflag:$0x2] =	stream.linear.gather [hbm4b:s15+s2], $0x80, $0x38;
	[tilespmem:$0x10080] =	vst v63  }
0x18: {  	_ =	swait.ge [sflag:s6], $0x80  }
0x19: {  	[sflag:s6] =	ssyncset.done $0x0  }
0x1a: {  	[sflag:s6] =	ssyncadd.s32 $0xFFFFFF80  }
0x1b: {  	v3 =	vld [tilespmem:$0x0];
	_ =	sdelay $0x4  }
0x1c: {  	v4 =	vshll.u32 v3, $0x1  }
0x1d: {  	v3 =	vand.u32 $0x7, v3;
	v4 =	vand.u32 $0xFFFFFFF0, v4  }
0x1e: {  	v3 =	vor.u32 v3, v4  }
0x1f: {  	v4 =	vperm.xlane v3, v0;
	_ =	sdelay $0x1  }
0x20: {  	v3 =	vperm.xlane v3, v2;
	v4 =	vadd.s32 v1, v4;
	_ =	sdelay $0x1  }
0x21: {  	v3 =	vadd.s32 v1, v3;
	_ =	sdelay $0x1  }
0x22: {  	s0 =	simm.s32 $0x80  }
0x23: {  	[tilespmem:s0], [sflag:$0x1] =	stream.indirect_vreg.gather [hbm4b:s3+s2], $0x80, v4, vm0, $0xb8;
	[tilespmem:$0x10080] =	vst v63  }
0x24: {  	_ = 	snop  }
0x25: {  	[tilespmem:s16], [sflag:$0x1] =	stream.indirect_vreg.gather [hbm4b:s3+s2], $0x80, v3, vm0, $0xb8;
	[tilespmem:$0x10080] =	vst v63  }
0x26: {  	v3 =	vld [tilespmem:$0x10];
	_ =	sdelay $0x4  }
0x27: {  	v33 =	vshll.u32 v3, $0x1  }
0x28: {  	v3 =	vand.u32 $0x7, v3;
	v4 =	vand.u32 $0xFFFFFFF0, v33  }
0x29: {  	v3 =	vor.u32 v3, v4  }
0x2a: {  	v4 =	vperm.xlane v3, v0;
	_ =	sdelay $0x1  }
0x2b: {  	v3 =	vperm.xlane v3, v2;
	v4 =	vadd.s32 v1, v4;
	_ =	sdelay $0x1  }
0x2c: {  	v3 =	vadd.s32 v1, v3;
	_ =	sdelay $0x2  }
0x2d: {  	[tilespmem:s17], [sflag:$0x1] =	stream.indirect_vreg.gather [hbm4b:s3+s2], $0x80, v4, vm0, $0xb8;
	[tilespmem:$0x10080] =	vst v63  }
0x2e: {  	_ = 	snop  }
0x2f: {  	[tilespmem:s18], [sflag:$0x1] =	stream.indirect_vreg.gather [hbm4b:s3+s2], $0x80, v3, vm0, $0xb8;
	[tilespmem:$0x10080] =	vst v63  }
0x30: {  	v3 =	vld [tilespmem:$0x20];
	_ =	sdelay $0x4  }
0x31: {  	v34 =	vshll.u32 v3, $0x1  }
0x32: {  	v3 =	vand.u32 $0x7, v3;
	v4 =	vand.u32 $0xFFFFFFF0, v34  }
0x33: {  	v3 =	vor.u32 v3, v4  }
0x34: {  	v4 =	vperm.xlane v3, v0;
	_ =	sdelay $0x1  }
0x35: {  	v3 =	vperm.xlane v3, v2;
	v4 =	vadd.s32 v1, v4;
	_ =	sdelay $0x1  }
0x36: {  	v3 =	vadd.s32 v1, v3;
	_ =	sdelay $0x2  }
0x37: {  	[tilespmem:s19], [sflag:$0x1] =	stream.indirect_vreg.gather [hbm4b:s3+s2], $0x80, v4, vm0, $0xb8;
	[tilespmem:$0x10080] =	vst v63  }
0x38: {  	_ = 	snop  }
0x39: {  	[tilespmem:s20], [sflag:$0x1] =	stream.indirect_vreg.gather [hbm4b:s3+s2], $0x80, v3, vm0, $0xb8;
	[tilespmem:$0x10080] =	vst v63  }
0x3a: {  	v3 =	vld [tilespmem:$0x30];
	_ =	sdelay $0x4  }
0x3b: {  	v35 =	vshll.u32 v3, $0x1  }
0x3c: {  	v3 =	vand.u32 $0x7, v3;
	v4 =	vand.u32 $0xFFFFFFF0, v35  }
0x3d: {  	v3 =	vor.u32 v3, v4  }
0x3e: {  	v4 =	vperm.xlane v3, v0;
	_ =	sdelay $0x1  }
0x3f: {  	v3 =	vperm.xlane v3, v2;
	v4 =	vadd.s32 v1, v4;
	_ =	sdelay $0x1  }
0x40: {  	v3 =	vadd.s32 v1, v3;
	_ =	sdelay $0x2  }
0x41: {  	[tilespmem:s21], [sflag:$0x1] =	stream.indirect_vreg.gather [hbm4b:s3+s2], $0x80, v4, vm0, $0xb8;
	[tilespmem:$0x10080] =	vst v63  }
0x42: {  	_ = 	snop  }
0x43: {  	[tilespmem:s22], [sflag:$0x1] =	stream.indirect_vreg.gather [hbm4b:s3+s2], $0x80, v3, vm0, $0xb8;
	[tilespmem:$0x10080] =	vst v63  }
0x44: {  	v3 =	vld [tilespmem:$0x40];
	_ =	sdelay $0x4  }
0x45: {  	v36 =	vshll.u32 v3, $0x1  }
0x46: {  	v3 =	vand.u32 $0x7, v3;
	v4 =	vand.u32 $0xFFFFFFF0, v36  }
0x47: {  	v3 =	vor.u32 v3, v4  }
0x48: {  	v4 =	vperm.xlane v3, v0;
	_ =	sdelay $0x1  }
0x49: {  	v3 =	vperm.xlane v3, v2;
	v4 =	vadd.s32 v1, v4;
	_ =	sdelay $0x1  }
0x4a: {  	v3 =	vadd.s32 v1, v3;
	_ =	sdelay $0x2  }
0x4b: {  	[tilespmem:s24], [sflag:$0x1] =	stream.indirect_vreg.gather [hbm4b:s3+s2], $0x80, v4, vm0, $0xb8;
	[tilespmem:$0x10080] =	vst v63  }
0x4c: {  	_ = 	snop  }
0x4d: {  	[tilespmem:s25], [sflag:$0x1] =	stream.indirect_vreg.gather [hbm4b:s3+s2], $0x80, v3, vm0, $0xb8;
	[tilespmem:$0x10080] =	vst v63  }
0x4e: {  	v3 =	vld [tilespmem:$0x50];
	_ =	sdelay $0x4  }
0x4f: {  	v37 =	vshll.u32 v3, $0x1  }
0x50: {  	v3 =	vand.u32 $0x7, v3;
	v4 =	vand.u32 $0xFFFFFFF0, v37  }
0x51: {  	v3 =	vor.u32 v3, v4  }
0x52: {  	v4 =	vperm.xlane v3, v0;
	_ =	sdelay $0x1  }
0x53: {  	v3 =	vperm.xlane v3, v2;
	v4 =	vadd.s32 v1, v4;
	_ =	sdelay $0x1  }
0x54: {  	v3 =	vadd.s32 v1, v3;
	_ =	sdelay $0x2  }
0x55: {  	[tilespmem:s26], [sflag:$0x1] =	stream.indirect_vreg.gather [hbm4b:s3+s2], $0x80, v4, vm0, $0xb8;
	[tilespmem:$0x10080] =	vst v63  }
0x56: {  	_ = 	snop  }
0x57: {  	[tilespmem:s28], [sflag:$0x1] =	stream.indirect_vreg.gather [hbm4b:s3+s2], $0x80, v3, vm0, $0xb8;
	[tilespmem:$0x10080] =	vst v63  }
0x58: {  	v3 =	vld [tilespmem:$0x60];
	_ =	sdelay $0x4  }
0x59: {  	v38 =	vshll.u32 v3, $0x1  }
0x5a: {  	v3 =	vand.u32 $0x7, v3;
	v4 =	vand.u32 $0xFFFFFFF0, v38  }
0x5b: {  	v3 =	vor.u32 v3, v4  }
0x5c: {  	v4 =	vperm.xlane v3, v0;
	_ =	sdelay $0x1  }
0x5d: {  	v3 =	vperm.xlane v3, v2;
	v4 =	vadd.s32 v1, v4;
	_ =	sdelay $0x1  }
0x5e: {  	v3 =	vadd.s32 v1, v3;
	_ =	sdelay $0x2  }
0x5f: {  	[tilespmem:s29], [sflag:$0x1] =	stream.indirect_vreg.gather [hbm4b:s3+s2], $0x80, v4, vm0, $0xb8;
	[tilespmem:$0x10080] =	vst v63  }
0x60: {  	_ = 	snop  }
0x61: {  	[tilespmem:s30], [sflag:$0x1] =	stream.indirect_vreg.gather [hbm4b:s3+s2], $0x80, v3, vm0, $0xb8;
	[tilespmem:$0x10080] =	vst v63  }
0x62: {  	v3 =	vld [tilespmem:$0x70];
	_ =	sdelay $0x4  }
0x63: {  	v39 =	vshll.u32 v3, $0x1  }
0x64: {  	v3 =	vand.u32 $0x7, v3;
	v4 =	vand.u32 $0xFFFFFFF0, v39  }
0x65: {  	v3 =	vor.u32 v3, v4  }
0x66: {  	v4 =	vperm.xlane v3, v0;
	_ =	sdelay $0x1  }
0x67: {  	v3 =	vperm.xlane v3, v2;
	v4 =	vadd.s32 v1, v4;
	_ =	sdelay $0x1  }
0x68: {  	v3 =	vadd.s32 v1, v3;
	_ =	sdelay $0x2  }
0x69: {  	[tilespmem:s31], [sflag:$0x1] =	stream.indirect_vreg.gather [hbm4b:s3+s2], $0x80, v4, vm0, $0xb8;
	[tilespmem:$0x10080] =	vst v63  }
0x6a: {  	_ = 	snop  }
0x6b: {  	[tilespmem:s23], [sflag:$0x1] =	stream.indirect_vreg.gather [hbm4b:s3+s2], $0x80, v3, vm0, $0xb8;
	[tilespmem:$0x10080] =	vst v63  }
0x6c: {  	v3 =	vld [tilespmem:$0x0];
	_ =	sdelay $0x4  }
0x6d: {  	v40 =	vshll.u32 v3, $0x1  }
0x6e: {  	v3 =	vand.u32 $0x7, v3;
	v4 =	vand.u32 $0xFFFFFFF0, v40  }
0x6f: {  	v3 =	vor.u32 v3, v4  }
0x70: {  	v4 =	vperm.xlane v3, v0;
	_ =	sdelay $0x1  }
0x71: {  	v3 =	vperm.xlane v3, v2;
	v4 =	vadd.s32 v1, v4;
	_ =	sdelay $0x1  }
0x72: {  	v3 =	vadd.s32 v1, v3;
	_ =	sdelay $0x2  }
0x73: {  	[tilespmem:s1], [sflag:$0x1] =	stream.indirect_vreg.gather [hbm4b:s4+s2], $0x80, v4, vm0, $0xb8;
	[tilespmem:$0x10080] =	vst v63  }
0x74: {  	s15 =	simm.s32 $0x8880  }
0x75: {  	[tilespmem:s15], [sflag:$0x1] =	stream.indirect_vreg.gather [hbm4b:s4+s2], $0x80, v3, vm0, $0xb8;
	[tilespmem:$0x10080] =	vst v63  }
0x76: {  	v3 =	vld [tilespmem:$0x10];
	_ =	sdelay $0x4  }
0x77: {  	v41 =	vshll.u32 v3, $0x1  }
0x78: {  	v3 =	vand.u32 $0x7, v3;
	v4 =	vand.u32 $0xFFFFFFF0, v41  }
0x79: {  	v3 =	vor.u32 v3, v4  }
0x7a: {  	v4 =	vperm.xlane v3, v0;
	_ =	sdelay $0x1  }
0x7b: {  	v3 =	vperm.xlane v3, v2;
	v4 =	vadd.s32 v1, v4;
	_ =	sdelay $0x1  }
0x7c: {  	v3 =	vadd.s32 v1, v3;
	_ =	sdelay $0x2  }
0x7d: {  	[tilespmem:s8], [sflag:$0x1] =	stream.indirect_vreg.gather [hbm4b:s4+s2], $0x80, v4, vm0, $0xb8;
	[tilespmem:$0x10080] =	vst v63  }
0x7e: {  	_ = 	snop  }
0x7f: {  	[tilespmem:s9], [sflag:$0x1] =	stream.indirect_vreg.gather [hbm4b:s4+s2], $0x80, v3, vm0, $0xb8;
	[tilespmem:$0x10080] =	vst v63  }
0x80: {  	v3 =	vld [tilespmem:$0x20];
	_ =	sdelay $0x4  }
0x81: {  	v42 =	vshll.u32 v3, $0x1  }
0x82: {  	v3 =	vand.u32 $0x7, v3;
	v4 =	vand.u32 $0xFFFFFFF0, v42  }
0x83: {  	v3 =	vor.u32 v3, v4  }
0x84: {  	v4 =	vperm.xlane v3, v0;
	_ =	sdelay $0x1  }
0x85: {  	v3 =	vperm.xlane v3, v2;
	v4 =	vadd.s32 v1, v4;
	_ =	sdelay $0x1  }
0x86: {  	v3 =	vadd.s32 v1, v3;
	_ =	sdelay $0x2  }
0x87: {  	[tilespmem:s10], [sflag:$0x1] =	stream.indirect_vreg.gather [hbm4b:s4+s2], $0x80, v4, vm0, $0xb8;
	[tilespmem:$0x10080] =	vst v63  }
0x88: {  	_ = 	snop  }
0x89: {  	[tilespmem:s11], [sflag:$0x1] =	stream.indirect_vreg.gather [hbm4b:s4+s2], $0x80, v3, vm0, $0xb8;
	[tilespmem:$0x10080] =	vst v63  }
0x8a: {  	v3 =	vld [tilespmem:$0x30];
	_ =	sdelay $0x4  }
0x8b: {  	v43 =	vshll.u32 v3, $0x1  }
0x8c: {  	v3 =	vand.u32 $0x7, v3;
	v4 =	vand.u32 $0xFFFFFFF0, v43  }
0x8d: {  	v3 =	vor.u32 v3, v4  }
0x8e: {  	v4 =	vperm.xlane v3, v0;
	_ =	sdelay $0x1  }
0x8f: {  	v3 =	vperm.xlane v3, v2;
	v4 =	vadd.s32 v1, v4;
	_ =	sdelay $0x1  }
0x90: {  	v3 =	vadd.s32 v1, v3;
	_ =	sdelay $0x2  }
0x91: {  	[tilespmem:s12], [sflag:$0x1] =	stream.indirect_vreg.gather [hbm4b:s4+s2], $0x80, v4, vm0, $0xb8;
	[tilespmem:$0x10080] =	vst v63  }
0x92: {  	_ = 	snop  }
0x93: {  	[tilespmem:s13], [sflag:$0x1] =	stream.indirect_vreg.gather [hbm4b:s4+s2], $0x80, v3, vm0, $0xb8;
	[tilespmem:$0x10080] =	vst v63  }
0x94: {  	v3 =	vld [tilespmem:$0x40];
	_ =	sdelay $0x4  }
0x95: {  	v44 =	vshll.u32 v3, $0x1  }
0x96: {  	v3 =	vand.u32 $0x7, v3;
	v4 =	vand.u32 $0xFFFFFFF0, v44  }
0x97: {  	v3 =	vor.u32 v3, v4  }
0x98: {  	v4 =	vperm.xlane v3, v0;
	_ =	sdelay $0x1  }
0x99: {  	v3 =	vperm.xlane v3, v2;
	v4 =	vadd.s32 v1, v4;
	_ =	sdelay $0x1  }
0x9a: {  	v3 =	vadd.s32 v1, v3;
	_ =	sdelay $0x2  }
0x9b: {  	[tilespmem:s7], [sflag:$0x1] =	stream.indirect_vreg.gather [hbm4b:s4+s2], $0x80, v4, vm0, $0xb8;
	[tilespmem:$0x10080] =	vst v63  }
0x9c: {  	s15 =	simm.s32 $0xC880  }
0x9d: {  	[tilespmem:s15], [sflag:$0x1] =	stream.indirect_vreg.gather [hbm4b:s4+s2], $0x80, v3, vm0, $0xb8;
	[tilespmem:$0x10080] =	vst v63  }
0x9e: {  	v3 =	vld [tilespmem:$0x50];
	_ =	sdelay $0x4  }
0x9f: {  	v45 =	vshll.u32 v3, $0x1  }
0xa0: {  	v3 =	vand.u32 $0x7, v3;
	v4 =	vand.u32 $0xFFFFFFF0, v45  }
0xa1: {  	v3 =	vor.u32 v3, v4  }
0xa2: {  	v4 =	vperm.xlane v3, v0;
	_ =	sdelay $0x1  }
0xa3: {  	v3 =	vperm.xlane v3, v2;
	v4 =	vadd.s32 v1, v4;
	_ =	sdelay $0x1  }
0xa4: {  	v3 =	vadd.s32 v1, v3;
	_ =	sdelay $0x1  }
0xa5: {  	s15 =	simm.s32 $0xD080  }
0xa6: {  	[tilespmem:s15], [sflag:$0x1] =	stream.indirect_vreg.gather [hbm4b:s4+s2], $0x80, v4, vm0, $0xb8;
	[tilespmem:$0x10080] =	vst v63  }
0xa7: {  	s15 =	simm.s32 $0xD880  }
0xa8: {  	[tilespmem:s15], [sflag:$0x1] =	stream.indirect_vreg.gather [hbm4b:s4+s2], $0x80, v3, vm0, $0xb8;
	[tilespmem:$0x10080] =	vst v63  }
0xa9: {  	v3 =	vld [tilespmem:$0x60];
	_ =	sdelay $0x4  }
0xaa: {  	v46 =	vshll.u32 v3, $0x1  }
0xab: {  	v3 =	vand.u32 $0x7, v3;
	v4 =	vand.u32 $0xFFFFFFF0, v46  }
0xac: {  	v3 =	vor.u32 v3, v4  }
0xad: {  	v4 =	vperm.xlane v3, v0;
	_ =	sdelay $0x1  }
0xae: {  	v3 =	vperm.xlane v3, v2;
	v4 =	vadd.s32 v1, v4;
	_ =	sdelay $0x1  }
0xaf: {  	v3 =	vadd.s32 v1, v3;
	_ =	sdelay $0x1  }
0xb0: {  	s15 =	simm.s32 $0xE080  }
0xb1: {  	[tilespmem:s15], [sflag:$0x1] =	stream.indirect_vreg.gather [hbm4b:s4+s2], $0x80, v4, vm0, $0xb8;
	[tilespmem:$0x10080] =	vst v63  }
0xb2: {  	s15 =	simm.s32 $0xE880  }
0xb3: {  	[tilespmem:s15], [sflag:$0x1] =	stream.indirect_vreg.gather [hbm4b:s4+s2], $0x80, v3, vm0, $0xb8;
	[tilespmem:$0x10080] =	vst v63  }
0xb4: {  	v3 =	vld [tilespmem:$0x70];
	_ =	sdelay $0x4  }
0xb5: {  	v47 =	vshll.u32 v3, $0x1  }
0xb6: {  	v3 =	vand.u32 $0x7, v3;
	v4 =	vand.u32 $0xFFFFFFF0, v47  }
0xb7: {  	v3 =	vor.u32 v3, v4  }
0xb8: {  	v4 =	vperm.xlane v3, v0;
	_ =	sdelay $0x1  }
0xb9: {  	v3 =	vperm.xlane v3, v2;
	v4 =	vadd.s32 v1, v4;
	_ =	sdelay $0x1  }
0xba: {  	v3 =	vadd.s32 v1, v3;
	_ =	sdelay $0x1  }
0xbb: {  	s15 =	simm.s32 $0xF080  }
0xbc: {  	[tilespmem:s15], [sflag:$0x1] =	stream.indirect_vreg.gather [hbm4b:s4+s2], $0x80, v4, vm0, $0xb8;
	[tilespmem:$0x10080] =	vst v63  }
0xbd: {  	s15 =	simm.s32 $0xF880  }
0xbe: {  	[tilespmem:s15], [sflag:$0x1] =	stream.indirect_vreg.gather [hbm4b:s4+s2], $0x80, v3, vm0, $0xb8;
	[tilespmem:$0x10080] =	vst v63  }
0xbf: {  	_ =	swait.ge [sflag:s14], $0x8000  }
0xc0: {  	[sflag:s14] =	ssyncset.done $0x0  }
0xc1: {  	[sflag:s14] =	ssyncadd.s32 $0xFFFF8000  }
0xc2: {  	_ =	swait.ge [sflag:s14], $0x8000  }
0xc3: {  	[sflag:s14] =	ssyncset.done $0x0  }
0xc4: {  	s0 =	simm.s32 $0x80;
	s15 =	rddreg [dreg:$0x4];
	[sflag:s14] =	ssyncadd.s32 $0xFFFF8000  }
0xc5: {  	[hbm4b:s15+s2] =	stream.linear.scatter [tilespmem:s0], [sflag:$0x2], $0x8000, $0x38;
	[tilespmem:$0x10080] =	vst v63  }
0xc6: {  	_ =	swait.ge [sflag:s6], $0x8000  }
0xc7: {  	[sflag:s6] =	ssyncset.done $0x0  }
0xc8: {  	s15 =	rddreg [dreg:$0x5];
	[sflag:s6] =	ssyncadd.s32 $0xFFFF8000  }
0xc9: {  	[hbm4b:s15+s2] =	stream.linear.scatter [tilespmem:s1], [sflag:$0x2], $0x8000, $0x38;
	[tilespmem:$0x10080] =	vst v63  }
0xca: {  	_ =	swait.ge [sflag:s6], $0x8000  }
0xcb: {  	[sflag:s6] =	ssyncset.done $0x0  }
0xcc: {  	s15 =	rddreg [dreg:$0x6];
	[sflag:s6] =	ssyncadd.s32 $0xFFFF8000  }
0xcd: {  	[tilespmem:s2], [sflag:$0x2] =	stream.linear.gather [hbm4b:s15+s2], $0x80, $0x38;
	[tilespmem:$0x10080] =	vst v63  }
0xce: {  	_ =	swait.ge [sflag:s6], $0x80  }
0xcf: {  	[sflag:s6] =	ssyncset.done $0x0  }
0xd0: {  	[sflag:s6] =	ssyncadd.s32 $0xFFFFFF80  }
0xd1: {  	v3 =	vld [tilespmem:$0x0];
	_ =	sdelay $0x4  }
0xd2: {  	v48 =	vshll.u32 v3, $0x1  }
0xd3: {  	v3 =	vand.u32 $0x7, v3;
	v4 =	vand.u32 $0xFFFFFFF0, v48  }
0xd4: {  	v3 =	vor.u32 v3, v4  }
0xd5: {  	v4 =	vperm.xlane v3, v0;
	_ =	sdelay $0x1  }
0xd6: {  	v3 =	vperm.xlane v3, v2;
	v4 =	vadd.s32 v1, v4;
	_ =	sdelay $0x1  }
0xd7: {  	v3 =	vadd.s32 v1, v3;
	_ =	sdelay $0x2  }
0xd8: {  	[tilespmem:s0], [sflag:$0x1] =	stream.indirect_vreg.gather [hbm4b:s3+s2], $0x80, v4, vm0, $0xb8;
	[tilespmem:$0x10080] =	vst v63  }
0xd9: {  	_ = 	snop  }
0xda: {  	[tilespmem:s16], [sflag:$0x1] =	stream.indirect_vreg.gather [hbm4b:s3+s2], $0x80, v3, vm0, $0xb8;
	[tilespmem:$0x10080] =	vst v63  }
0xdb: {  	v3 =	vld [tilespmem:$0x10];
	_ =	sdelay $0x4  }
0xdc: {  	v49 =	vshll.u32 v3, $0x1  }
0xdd: {  	v3 =	vand.u32 $0x7, v3;
	v4 =	vand.u32 $0xFFFFFFF0, v49  }
0xde: {  	v3 =	vor.u32 v3, v4  }
0xdf: {  	v4 =	vperm.xlane v3, v0;
	_ =	sdelay $0x1  }
0xe0: {  	v3 =	vperm.xlane v3, v2;
	v4 =	vadd.s32 v1, v4;
	_ =	sdelay $0x1  }
0xe1: {  	v3 =	vadd.s32 v1, v3;
	_ =	sdelay $0x2  }
0xe2: {  	[tilespmem:s17], [sflag:$0x1] =	stream.indirect_vreg.gather [hbm4b:s3+s2], $0x80, v4, vm0, $0xb8;
	[tilespmem:$0x10080] =	vst v63  }
0xe3: {  	_ = 	snop  }
0xe4: {  	[tilespmem:s18], [sflag:$0x1] =	stream.indirect_vreg.gather [hbm4b:s3+s2], $0x80, v3, vm0, $0xb8;
	[tilespmem:$0x10080] =	vst v63  }
0xe5: {  	v3 =	vld [tilespmem:$0x20];
	_ =	sdelay $0x4  }
0xe6: {  	v50 =	vshll.u32 v3, $0x1  }
0xe7: {  	v3 =	vand.u32 $0x7, v3;
	v4 =	vand.u32 $0xFFFFFFF0, v50  }
0xe8: {  	v3 =	vor.u32 v3, v4  }
0xe9: {  	v4 =	vperm.xlane v3, v0;
	_ =	sdelay $0x1  }
0xea: {  	v3 =	vperm.xlane v3, v2;
	v4 =	vadd.s32 v1, v4;
	_ =	sdelay $0x1  }
0xeb: {  	v3 =	vadd.s32 v1, v3;
	_ =	sdelay $0x2  }
0xec: {  	[tilespmem:s19], [sflag:$0x1] =	stream.indirect_vreg.gather [hbm4b:s3+s2], $0x80, v4, vm0, $0xb8;
	[tilespmem:$0x10080] =	vst v63  }
0xed: {  	_ = 	snop  }
0xee: {  	[tilespmem:s20], [sflag:$0x1] =	stream.indirect_vreg.gather [hbm4b:s3+s2], $0x80, v3, vm0, $0xb8;
	[tilespmem:$0x10080] =	vst v63  }
0xef: {  	v3 =	vld [tilespmem:$0x30];
	_ =	sdelay $0x4  }
0xf0: {  	v51 =	vshll.u32 v3, $0x1  }
0xf1: {  	v3 =	vand.u32 $0x7, v3;
	v4 =	vand.u32 $0xFFFFFFF0, v51  }
0xf2: {  	v3 =	vor.u32 v3, v4  }
0xf3: {  	v4 =	vperm.xlane v3, v0;
	_ =	sdelay $0x1  }
0xf4: {  	v3 =	vperm.xlane v3, v2;
	v4 =	vadd.s32 v1, v4;
	_ =	sdelay $0x1  }
0xf5: {  	v3 =	vadd.s32 v1, v3;
	_ =	sdelay $0x2  }
0xf6: {  	[tilespmem:s21], [sflag:$0x1] =	stream.indirect_vreg.gather [hbm4b:s3+s2], $0x80, v4, vm0, $0xb8;
	[tilespmem:$0x10080] =	vst v63  }
0xf7: {  	_ = 	snop  }
0xf8: {  	[tilespmem:s22], [sflag:$0x1] =	stream.indirect_vreg.gather [hbm4b:s3+s2], $0x80, v3, vm0, $0xb8;
	[tilespmem:$0x10080] =	vst v63  }
0xf9: {  	v3 =	vld [tilespmem:$0x40];
	_ =	sdelay $0x4  }
0xfa: {  	v52 =	vshll.u32 v3, $0x1  }
0xfb: {  	v3 =	vand.u32 $0x7, v3;
	v4 =	vand.u32 $0xFFFFFFF0, v52  }
0xfc: {  	v3 =	vor.u32 v3, v4  }
0xfd: {  	v4 =	vperm.xlane v3, v0;
	_ =	sdelay $0x1  }
0xfe: {  	v3 =	vperm.xlane v3, v2;
	v4 =	vadd.s32 v1, v4;
	_ =	sdelay $0x1  }
0xff: {  	v3 =	vadd.s32 v1, v3;
	_ =	sdelay $0x2  }
0x100: {  	[tilespmem:s24], [sflag:$0x1] =	stream.indirect_vreg.gather [hbm4b:s3+s2], $0x80, v4, vm0, $0xb8;
	[tilespmem:$0x10080] =	vst v63  }
0x101: {  	_ = 	snop  }
0x102: {  	[tilespmem:s25], [sflag:$0x1] =	stream.indirect_vreg.gather [hbm4b:s3+s2], $0x80, v3, vm0, $0xb8;
	[tilespmem:$0x10080] =	vst v63  }
0x103: {  	v3 =	vld [tilespmem:$0x50];
	_ =	sdelay $0x4  }
0x104: {  	v53 =	vshll.u32 v3, $0x1  }
0x105: {  	v3 =	vand.u32 $0x7, v3;
	v4 =	vand.u32 $0xFFFFFFF0, v53  }
0x106: {  	v3 =	vor.u32 v3, v4  }
0x107: {  	v4 =	vperm.xlane v3, v0;
	_ =	sdelay $0x1  }
0x108: {  	v3 =	vperm.xlane v3, v2;
	v4 =	vadd.s32 v1, v4;
	_ =	sdelay $0x1  }
0x109: {  	v3 =	vadd.s32 v1, v3;
	_ =	sdelay $0x2  }
0x10a: {  	[tilespmem:s26], [sflag:$0x1] =	stream.indirect_vreg.gather [hbm4b:s3+s2], $0x80, v4, vm0, $0xb8;
	[tilespmem:$0x10080] =	vst v63  }
0x10b: {  	_ = 	snop  }
0x10c: {  	[tilespmem:s28], [sflag:$0x1] =	stream.indirect_vreg.gather [hbm4b:s3+s2], $0x80, v3, vm0, $0xb8;
	[tilespmem:$0x10080] =	vst v63  }
0x10d: {  	v3 =	vld [tilespmem:$0x60];
	_ =	sdelay $0x4  }
0x10e: {  	v54 =	vshll.u32 v3, $0x1  }
0x10f: {  	v3 =	vand.u32 $0x7, v3;
	v4 =	vand.u32 $0xFFFFFFF0, v54  }
0x110: {  	v3 =	vor.u32 v3, v4  }
0x111: {  	v4 =	vperm.xlane v3, v0;
	_ =	sdelay $0x1  }
0x112: {  	v3 =	vperm.xlane v3, v2;
	v4 =	vadd.s32 v1, v4;
	_ =	sdelay $0x1  }
0x113: {  	v3 =	vadd.s32 v1, v3;
	_ =	sdelay $0x2  }
0x114: {  	[tilespmem:s29], [sflag:$0x1] =	stream.indirect_vreg.gather [hbm4b:s3+s2], $0x80, v4, vm0, $0xb8;
	[tilespmem:$0x10080] =	vst v63  }
0x115: {  	_ = 	snop  }
0x116: {  	[tilespmem:s30], [sflag:$0x1] =	stream.indirect_vreg.gather [hbm4b:s3+s2], $0x80, v3, vm0, $0xb8;
	[tilespmem:$0x10080] =	vst v63  }
0x117: {  	v3 =	vld [tilespmem:$0x70];
	_ =	sdelay $0x4  }
0x118: {  	v55 =	vshll.u32 v3, $0x1  }
0x119: {  	v3 =	vand.u32 $0x7, v3;
	v4 =	vand.u32 $0xFFFFFFF0, v55  }
0x11a: {  	v3 =	vor.u32 v3, v4  }
0x11b: {  	v4 =	vperm.xlane v3, v0;
	_ =	sdelay $0x1  }
0x11c: {  	v3 =	vperm.xlane v3, v2;
	v4 =	vadd.s32 v1, v4;
	_ =	sdelay $0x1  }
0x11d: {  	v3 =	vadd.s32 v1, v3;
	_ =	sdelay $0x2  }
0x11e: {  	[tilespmem:s31], [sflag:$0x1] =	stream.indirect_vreg.gather [hbm4b:s3+s2], $0x80, v4, vm0, $0xb8;
	[tilespmem:$0x10080] =	vst v63  }
0x11f: {  	_ = 	snop  }
0x120: {  	[tilespmem:s23], [sflag:$0x1] =	stream.indirect_vreg.gather [hbm4b:s3+s2], $0x80, v3, vm0, $0xb8;
	[tilespmem:$0x10080] =	vst v63  }
0x121: {  	v3 =	vld [tilespmem:$0x0];
	_ =	sdelay $0x4  }
0x122: {  	v56 =	vshll.u32 v3, $0x1  }
0x123: {  	v3 =	vand.u32 $0x7, v3;
	v4 =	vand.u32 $0xFFFFFFF0, v56  }
0x124: {  	v3 =	vor.u32 v3, v4  }
0x125: {  	v4 =	vperm.xlane v3, v0;
	_ =	sdelay $0x1  }
0x126: {  	v3 =	vperm.xlane v3, v2;
	v4 =	vadd.s32 v1, v4;
	_ =	sdelay $0x1  }
0x127: {  	v3 =	vadd.s32 v1, v3;
	_ =	sdelay $0x2  }
0x128: {  	[tilespmem:s1], [sflag:$0x1] =	stream.indirect_vreg.gather [hbm4b:s4+s2], $0x80, v4, vm0, $0xb8;
	[tilespmem:$0x10080] =	vst v63  }
0x129: {  	s15 =	simm.s32 $0x8880  }
0x12a: {  	[tilespmem:s15], [sflag:$0x1] =	stream.indirect_vreg.gather [hbm4b:s4+s2], $0x80, v3, vm0, $0xb8;
	[tilespmem:$0x10080] =	vst v63  }
0x12b: {  	v3 =	vld [tilespmem:$0x10];
	_ =	sdelay $0x4  }
0x12c: {  	v57 =	vshll.u32 v3, $0x1  }
0x12d: {  	v3 =	vand.u32 $0x7, v3;
	v4 =	vand.u32 $0xFFFFFFF0, v57  }
0x12e: {  	v3 =	vor.u32 v3, v4  }
0x12f: {  	v4 =	vperm.xlane v3, v0;
	_ =	sdelay $0x1  }
0x130: {  	v3 =	vperm.xlane v3, v2;
	v4 =	vadd.s32 v1, v4;
	_ =	sdelay $0x1  }
0x131: {  	v3 =	vadd.s32 v1, v3;
	_ =	sdelay $0x2  }
0x132: {  	[tilespmem:s8], [sflag:$0x1] =	stream.indirect_vreg.gather [hbm4b:s4+s2], $0x80, v4, vm0, $0xb8;
	[tilespmem:$0x10080] =	vst v63  }
0x133: {  	_ = 	snop  }
0x134: {  	[tilespmem:s9], [sflag:$0x1] =	stream.indirect_vreg.gather [hbm4b:s4+s2], $0x80, v3, vm0, $0xb8;
	[tilespmem:$0x10080] =	vst v63  }
0x135: {  	v3 =	vld [tilespmem:$0x20];
	_ =	sdelay $0x4  }
0x136: {  	v58 =	vshll.u32 v3, $0x1  }
0x137: {  	v3 =	vand.u32 $0x7, v3;
	v4 =	vand.u32 $0xFFFFFFF0, v58  }
0x138: {  	v3 =	vor.u32 v3, v4  }
0x139: {  	v4 =	vperm.xlane v3, v0;
	_ =	sdelay $0x1  }
0x13a: {  	v3 =	vperm.xlane v3, v2;
	v4 =	vadd.s32 v1, v4;
	_ =	sdelay $0x1  }
0x13b: {  	v3 =	vadd.s32 v1, v3;
	_ =	sdelay $0x2  }
0x13c: {  	[tilespmem:s10], [sflag:$0x1] =	stream.indirect_vreg.gather [hbm4b:s4+s2], $0x80, v4, vm0, $0xb8;
	[tilespmem:$0x10080] =	vst v63  }
0x13d: {  	_ = 	snop  }
0x13e: {  	[tilespmem:s11], [sflag:$0x1] =	stream.indirect_vreg.gather [hbm4b:s4+s2], $0x80, v3, vm0, $0xb8;
	[tilespmem:$0x10080] =	vst v63  }
0x13f: {  	v3 =	vld [tilespmem:$0x30];
	_ =	sdelay $0x4  }
0x140: {  	v59 =	vshll.u32 v3, $0x1  }
0x141: {  	v3 =	vand.u32 $0x7, v3;
	v4 =	vand.u32 $0xFFFFFFF0, v59  }
0x142: {  	v3 =	vor.u32 v3, v4  }
0x143: {  	v4 =	vperm.xlane v3, v0;
	_ =	sdelay $0x1  }
0x144: {  	v3 =	vperm.xlane v3, v2;
	v4 =	vadd.s32 v1, v4;
	_ =	sdelay $0x1  }
0x145: {  	v3 =	vadd.s32 v1, v3;
	_ =	sdelay $0x2  }
0x146: {  	[tilespmem:s12], [sflag:$0x1] =	stream.indirect_vreg.gather [hbm4b:s4+s2], $0x80, v4, vm0, $0xb8;
	[tilespmem:$0x10080] =	vst v63  }
0x147: {  	_ = 	snop  }
0x148: {  	[tilespmem:s13], [sflag:$0x1] =	stream.indirect_vreg.gather [hbm4b:s4+s2], $0x80, v3, vm0, $0xb8;
	[tilespmem:$0x10080] =	vst v63  }
0x149: {  	v3 =	vld [tilespmem:$0x40];
	_ =	sdelay $0x4  }
0x14a: {  	v60 =	vshll.u32 v3, $0x1  }
0x14b: {  	v3 =	vand.u32 $0x7, v3;
	v4 =	vand.u32 $0xFFFFFFF0, v60  }
0x14c: {  	v3 =	vor.u32 v3, v4  }
0x14d: {  	v4 =	vperm.xlane v3, v0;
	_ =	sdelay $0x1  }
0x14e: {  	v3 =	vperm.xlane v3, v2;
	v4 =	vadd.s32 v1, v4;
	_ =	sdelay $0x1  }
0x14f: {  	v3 =	vadd.s32 v1, v3;
	_ =	sdelay $0x2  }
0x150: {  	[tilespmem:s7], [sflag:$0x1] =	stream.indirect_vreg.gather [hbm4b:s4+s2], $0x80, v4, vm0, $0xb8;
	[tilespmem:$0x10080] =	vst v63  }
0x151: {  	s15 =	simm.s32 $0xC880  }
0x152: {  	[tilespmem:s15], [sflag:$0x1] =	stream.indirect_vreg.gather [hbm4b:s4+s2], $0x80, v3, vm0, $0xb8;
	[tilespmem:$0x10080] =	vst v63  }
0x153: {  	v3 =	vld [tilespmem:$0x50];
	_ =	sdelay $0x4  }
0x154: {  	v61 =	vshll.u32 v3, $0x1  }
0x155: {  	v3 =	vand.u32 $0x7, v3;
	v4 =	vand.u32 $0xFFFFFFF0, v61  }
0x156: {  	v3 =	vor.u32 v3, v4  }
0x157: {  	v4 =	vperm.xlane v3, v0;
	_ =	sdelay $0x1  }
0x158: {  	v3 =	vperm.xlane v3, v2;
	v4 =	vadd.s32 v1, v4;
	_ =	sdelay $0x1  }
0x159: {  	v3 =	vadd.s32 v1, v3;
	_ =	sdelay $0x1  }
0x15a: {  	s15 =	simm.s32 $0xD080  }
0x15b: {  	[tilespmem:s15], [sflag:$0x1] =	stream.indirect_vreg.gather [hbm4b:s4+s2], $0x80, v4, vm0, $0xb8;
	[tilespmem:$0x10080] =	vst v63  }
0x15c: {  	s15 =	simm.s32 $0xD880  }
0x15d: {  	[tilespmem:s15], [sflag:$0x1] =	stream.indirect_vreg.gather [hbm4b:s4+s2], $0x80, v3, vm0, $0xb8;
	[tilespmem:$0x10080] =	vst v63  }
0x15e: {  	v3 =	vld [tilespmem:$0x60];
	_ =	sdelay $0x4  }
0x15f: {  	v62 =	vshll.u32 v3, $0x1  }
0x160: {  	v3 =	vand.u32 $0x7, v3;
	v4 =	vand.u32 $0xFFFFFFF0, v62  }
0x161: {  	v3 =	vor.u32 v3, v4  }
0x162: {  	v4 =	vperm.xlane v3, v0;
	_ =	sdelay $0x1  }
0x163: {  	v3 =	vperm.xlane v3, v2;
	v4 =	vadd.s32 v1, v4;
	_ =	sdelay $0x1  }
0x164: {  	v3 =	vadd.s32 v1, v3;
	_ =	sdelay $0x1  }
0x165: {  	s15 =	simm.s32 $0xE080  }
0x166: {  	[tilespmem:s15], [sflag:$0x1] =	stream.indirect_vreg.gather [hbm4b:s4+s2], $0x80, v4, vm0, $0xb8;
	[tilespmem:$0x10080] =	vst v63  }
0x167: {  	s15 =	simm.s32 $0xE880  }
0x168: {  	[tilespmem:s15], [sflag:$0x1] =	stream.indirect_vreg.gather [hbm4b:s4+s2], $0x80, v3, vm0, $0xb8;
	[tilespmem:$0x10080] =	vst v63  }
0x169: {  	v3 =	vld [tilespmem:$0x70];
	_ =	sdelay $0x4  }
0x16a: {  	v63 =	vshll.u32 v3, $0x1  }
0x16b: {  	v3 =	vand.u32 $0x7, v3;
	v4 =	vand.u32 $0xFFFFFFF0, v63  }
0x16c: {  	v3 =	vor.u32 v3, v4  }
0x16d: {  	v4 =	vperm.xlane v3, v0;
	_ =	sdelay $0x1  }
0x16e: {  	v3 =	vperm.xlane v3, v2;
	v4 =	vadd.s32 v1, v4;
	_ =	sdelay $0x1  }
0x16f: {  	v3 =	vadd.s32 v1, v3;
	_ =	sdelay $0x1  }
0x170: {  	s15 =	simm.s32 $0xF080  }
0x171: {  	[tilespmem:s15], [sflag:$0x1] =	stream.indirect_vreg.gather [hbm4b:s4+s2], $0x80, v4, vm0, $0xb8;
	[tilespmem:$0x10080] =	vst v63  }
0x172: {  	s15 =	simm.s32 $0xF880  }
0x173: {  	[tilespmem:s15], [sflag:$0x1] =	stream.indirect_vreg.gather [hbm4b:s4+s2], $0x80, v3, vm0, $0xb8;
	[tilespmem:$0x10080] =	vst v63  }
0x174: {  	_ =	swait.ge [sflag:s14], $0x8000  }
0x175: {  	[sflag:s14] =	ssyncset.done $0x0  }
0x176: {  	[sflag:s14] =	ssyncadd.s32 $0xFFFF8000  }
0x177: {  	_ =	swait.ge [sflag:s14], $0x8000  }
0x178: {  	[sflag:s14] =	ssyncset.done $0x0  }
0x179: {  	s0 =	simm.s32 $0x80;
	s15 =	rddreg [dreg:$0x7];
	[sflag:s14] =	ssyncadd.s32 $0xFFFF8000  }
0x17a: {  	[hbm4b:s15+s2] =	stream.linear.scatter [tilespmem:s0], [sflag:$0x2], $0x8000, $0x38;
	[tilespmem:$0x10080] =	vst v63  }
0x17b: {  	_ =	swait.ge [sflag:s6], $0x8000  }
0x17c: {  	p0 =	sne.s32 s5, $0x1;
	[sflag:s6] =	ssyncset.done $0x0  }
.Ltmp0:
0x17d: {  	s0 =	rddreg [dreg:$0x8];
	[sflag:s6] =	ssyncadd.s32 $0xFFFF8000;
	(pc) =	sbr.rel @p0 .LBB2_1-.Ltmp0, $4  }
0x17e: {  	[hbm4b:s0+s2] =	stream.linear.scatter [tilespmem:s1], [sflag:$0x2], $0x8000, $0x38;
	[tilespmem:$0x10080] =	vst v63  }
0x17f: {  	_ =	swait.ge [sflag:s6], $0x8000  }
0x180: {  	[sflag:s6] =	ssyncset.done $0x0  }
0x181: {  	s5 =	sadd.s32 $0xFFFFFFFF, s5;
	[sflag:s6] =	ssyncadd.s32 $0xFFFF8000  }
0x182: {  	_ =	sfence.sel $0x180000  }
0x183: {  	[bflag:$0x0] =	sbarrier.arrive $0xFFFF  }
0x184: {  	_ =	strace $0x9000004A  }
0x185: {  	s0 =	stileid.u32;
	[bflag:$0x2] =	sbarrier.arrive $0xFFFF  }
0x186: {  	p0 =	sne.s32 s0, $0x0;
	s0 =	rddreg [dreg:$0x2]  }
0x187: {  	s0 =	sadd.s32 @!p0 $0x100000, s0  }
0x188: {  	[sflag:s0] =	ssyncadd.tile.s32 @!p0 $0x1;
	_ =	shalt  }
.Lfunc_end2:
_tile_overlayer_lowered:
.L_overlay_start_2:
0x189: {  	(tag) =	ssettag $0x2  }
0x18a: {  	s0 =	rddreg [dreg:$0x0];
	s2 =	stileid.u32  }
0x18b: {  	s1 =	rddreg [dreg:$0x1];
	p0 =	sne.s32 s2, $0x0  }
0x18c: {  	s3 =	rddreg [dreg:$0x2];
	[bflag:$0x3] =	sbarrier.arrive $0xFFFF;
	s2 =	simm.s32 @!p0 $0x1C02  }
0x18d: {  	[timem:s3], [sflag:s2] =	dma.local @!p0 [hbm:s0], s1  }
0x18e: {  	s0 =	simm.s32 @!p0 $0x2  }
0x18f: {  	_ =	swait.ge @!p0 [sflag:s0], s1  }
0x190: {  	s1 =	ssub.s32 @!p0 $0x0, s1;
	[sflag:s0] =	ssyncset.done @!p0 $0x0  }
0x191: {  	[sflag:s0] =	ssyncadd.s32 @!p0 s1  }
0x192: {  	[bflag:$0x3] =	sbarrier.arrive $0xFFFF  }
0x193: {  	_ =	shalt  }

// kernel: kernel.9.cloned.1.call-start
scs
__scs_entry_jumppad:
0x0: {  	(pc) =	sbr.rel $0x88, $3  }
0x1: {  	(tag) =	ssettag $0x0;
	lr =	simm.s32 $0x1  }
0x2: {  	[smem:$0x3F9B] =	sst lr;
	_ =	strace $0xD0000000  }
0x3: {  	_ = 	snop  }
0x4: {  	_ = 	snop  }
0x5: {  	_ = 	snop  }
0x6: {  	_ = 	snop  }
0x7: {  	_ = 	snop  }
__scs_overlays_trampoline_lowered:
0x8: {  	[smem:$0x3FAA] =	sst s0  }
0x9: {  	[smem:$0x3FAB] =	sst s1  }
0xa: {  	[smem:$0x3FAC] =	sst s2  }
0xb: {  	[smem:$0x3FAD] =	sst s3  }
0xc: {  	[smem:$0x3FAE] =	sst s4  }
0xd: {  	[smem:$0x3FAF] =	sst s5  }
0xe: {  	[smem:$0x3FB0] =	sst s6  }
0xf: {  	[smem:$0x3FB1] =	sst s7  }
0x10: {  	[smem:$0x3FB2] =	sst s8  }
0x11: {  	[smem:$0x3FB3] =	sst s9;
	s0 =	simm.s32 @!p0 $0x0  }
0x12: {  	s1 =	sld [smem:$0x3F99];
	s0 =	simm.s32 @p0 $0x1  }
0x13: {  	[smem:$0x3FB4] =	sst s0;
	s0 =	simm.s32 @!p1 $0x0  }
0x14: {  	s2 =	sld [smem:$0x3F98];
	s0 =	simm.s32 @p1 $0x1  }
0x15: {  	[smem:$0x3FB5] =	sst s0;
	s0 =	simm.s32 @!p2 $0x0  }
0x16: {  	s3 =	sld [smem:$0x3FDB];
	s0 =	simm.s32 @p2 $0x1  }
0x17: {  	s4 =	simm.s32 $0x1BF5;
	[smem:$0x3FB7] =	sst s0  }
0x18: {  	s0 =	sld [smem:$0x3F9A];
	_ =	swait.ge [sflag:s4], $0x0  }
0x19: {  	s7 =	sld [smem:$0x3F9B]  }
0x1a: {  	s8 =	sadd.s32 $0xFFFFE003, lr  }
0x1b: {  	s9 =	sadd.s32 $0xFFFFFEF7, lr;
	s5 =	simm.s32 $0xFFFFFFFF;
	p2 =	slt.u32 s8, $0xFFFFF086  }
0x1c: {  	p1 =	slt.u32 s9, $0xF7A;
	s5 =	simm.s32 @!p2 $0x0  }
0x1d: {  	s5 =	simm.s32 @p1 $0x1;
	p0 =	seq.s32 s7, s2  }
0x1e: {  	s7 =	smul.u32 @!p0 $0xF7A, s2;
	p2 =	seq.s32 @!p0 s5, $0x0  }
0x1f: {  	s9 =	smul.u32 $0xF7A, s1;
	s8 =	simm.s32 @!p0 $0x1BF5;
	p2 =	por !p2, p0  }
0x20: {  	[sflag:s8] =	ssyncset.s32 @!p0 $0xFFFFF086;
	s6 =	sadd.s32 @!p0 s3, s7;
	s7 =	simm.s32 @!p0 $0x108  }
0x21: {  	s3 =	sadd.s32 s3, s9;
	s6 =	sadd.s32 @!p0 $0x88, s6;
	s7 =	simm.s32 @p2 $0x1082  }
0x22: {  	[simem:s7], [sflag:s8] =	dma.local @!p0 [hbm:s6], $0xF7A  }
0x23: {  	s9 =	sor.u32 $0xD0000000, s2;
	s6 =	simm.s32 $0x108;
	_ =	swait.ge @!p0 [sflag:s8], $0x0  }
0x24: {  	s3 =	sadd.s32 $0x88, s3;
	s6 =	simm.s32 @!p1 $0x1082;
	[sflag:s4] =	ssyncset.s32 $0xFFFFF086  }
0x25: {  	[simem:s6], [sflag:s4] =	dma.local [hbm:s3], $0xF7A  }
0x26: {  	[smem:$0x3F9B] =	sst s1;
	(tag) =	ssettag s2;
	_ =	strace s9  }
0x27: {  	s1 =	sld [smem:$0x3FAB]  }
0x28: {  	s2 =	sld [smem:$0x3FAC]  }
0x29: {  	s4 =	sld [smem:$0x3FAE]  }
0x2a: {  	p0 =	seq.s32 s5, $0x0;
	s5 =	sld [smem:$0x3FAF]  }
0x2b: {  	s6 =	sld [smem:$0x3FB0]  }
0x2c: {  	s7 =	sld [smem:$0x3FB1]  }
0x2d: {  	s3 =	simm.s32 $0x108;
	s8 =	sld [smem:$0x3FB2]  }
0x2e: {  	s3 =	simm.s32 @!p0 $0x1082;
	s9 =	sld [smem:$0x3FB3]  }
0x2f: {  	lr =	sadd.s32 s0, s3;
	s0 =	sld [smem:$0x3FAA]  }
0x30: {  	s3 =	sld [smem:$0x3FAD]  }
0x31: {  	[smem:$0x3FB6] =	sst s10  }
0x32: {  	s10 =	sld [smem:$0x3FB4];
	_ =	sdelay $0x3  }
0x33: {  	p0 =	seq.s32 s10, $0x1;
	s10 =	sld [smem:$0x3FB6];
	_ =	sdelay $0x3  }
0x34: {  	[smem:$0x3FB6] =	sst s10  }
0x35: {  	s10 =	sld [smem:$0x3FB5];
	_ =	sdelay $0x3  }
0x36: {  	p1 =	seq.s32 s10, $0x1;
	s10 =	sld [smem:$0x3FB6];
	_ =	sdelay $0x3  }
0x37: {  	[smem:$0x3FB6] =	sst s10  }
0x38: {  	s10 =	sld [smem:$0x3FB7]  }
0x39: {  	_ = 	snop;
	(pc) =	sbr.ind lr, $3  }
0x3a: {  	_ = 	snop  }
0x3b: {  	_ = 	snop  }
0x3c: {  	p2 =	seq.s32 s10, $0x1;
	s10 =	sld [smem:$0x3FB6]  }
0x3d: {  	_ =	shalt  }
0x3e: {  	_ =	shalt  }
0x3f: {  	_ =	shalt  }
0x40: {  	_ =	shalt  }
0x41: {  	_ =	shalt  }
0x42: {  	_ =	shalt  }
0x43: {  	_ =	shalt  }
0x44: {  	_ =	shalt  }
0x45: {  	_ =	shalt  }
0x46: {  	_ =	shalt  }
0x47: {  	_ =	shalt  }
0x48: {  	_ =	shalt  }
0x49: {  	_ =	shalt  }
0x4a: {  	_ =	shalt  }
0x4b: {  	_ =	shalt  }
0x4c: {  	_ =	shalt  }
0x4d: {  	_ =	shalt  }
0x4e: {  	_ =	shalt  }
0x4f: {  	_ =	shalt  }
0x50: {  	_ =	shalt  }
0x51: {  	_ =	shalt  }
0x52: {  	_ =	shalt  }
0x53: {  	_ =	shalt  }
0x54: {  	_ =	shalt  }
0x55: {  	_ =	shalt  }
0x56: {  	_ =	shalt  }
0x57: {  	_ =	shalt  }
0x58: {  	_ =	shalt  }
0x59: {  	_ =	shalt  }
0x5a: {  	_ =	shalt  }
0x5b: {  	_ =	shalt  }
0x5c: {  	_ =	shalt  }
0x5d: {  	_ =	shalt  }
0x5e: {  	_ =	shalt  }
0x5f: {  	_ =	shalt  }
0x60: {  	_ =	shalt  }
0x61: {  	_ =	shalt  }
0x62: {  	_ =	shalt  }
0x63: {  	_ =	shalt  }
0x64: {  	_ =	shalt  }
0x65: {  	_ =	shalt  }
0x66: {  	_ =	shalt  }
0x67: {  	_ =	shalt  }
0x68: {  	_ =	shalt  }
0x69: {  	_ =	shalt  }
0x6a: {  	_ =	shalt  }
0x6b: {  	_ =	shalt  }
0x6c: {  	_ =	shalt  }
0x6d: {  	_ =	shalt  }
0x6e: {  	_ =	shalt  }
0x6f: {  	_ =	shalt  }
0x70: {  	_ =	shalt  }
0x71: {  	_ =	shalt  }
0x72: {  	_ =	shalt  }
0x73: {  	_ =	shalt  }
0x74: {  	_ =	shalt  }
0x75: {  	_ =	shalt  }
0x76: {  	_ =	shalt  }
0x77: {  	_ =	shalt  }
0x78: {  	_ =	shalt  }
0x79: {  	_ =	shalt  }
0x7a: {  	_ =	shalt  }
0x7b: {  	_ =	shalt  }
0x7c: {  	_ =	shalt  }
0x7d: {  	_ =	shalt  }
0x7e: {  	_ =	shalt  }
0x7f: {  	_ =	shalt  }
0x80: {  	_ =	shalt  }
0x81: {  	_ =	shalt  }
0x82: {  	_ =	shalt  }
0x83: {  	_ =	shalt  }
0x84: {  	_ =	shalt  }
0x85: {  	_ =	shalt  }
0x86: {  	_ =	shalt  }
0x87: {  	_ =	shalt  }
.Lfunc_end0:
.L_simem_size_0:
called_computation.1_lowered:
.L_overlay_start_0:
0x88: {  	s2 =	sld [smem:$0x3FD9]  }
0x89: {  	s3 =	sld [smem:$0x3FFE];
	_ =	sdelay $0x1  }
0x8a: {  	s1 =	srdreg.scid  }
0x8b: {  	s0 =	sand.u32 $0x1, s1  }
0x8c: {  	s14 =	sshll.u32 s0, $0xA;
	s2 =	sadd.s32 s3, s2  }
0x8d: {  	s2 =	sadd.s32 s2, s14  }
0x8e: {  	[smem:$0x3FC2] =	sst s2  }
0x8f: {  	_ = 	snop  }
0x90: {  	s2 =	sld [smem:$0x3FD0];
	_ =	sdelay $0x2  }
0x91: {  	s15 =	simm.s32 $0xB;
	s4 =	simm.s32 $0x10  }
0x92: {  	[smem:s4], [sflag:s15] =	dma.local [hbm:s2], $0x1  }
0x93: {  	_ =	swait.eq [sflag:s15], $0x1  }
0x94: {  	s16 =	sld [smem:$0x10];
	[sflag:s15] =	ssyncset.done $0x0  }
0x95: {  	s17 =	sld [smem:$0x11];
	[sflag:s15] =	ssyncadd.s32 $0xFFFFFFFF  }
0x96: {  	s18 =	sld [smem:$0x14];
	(tm) =	ssettm $0x1  }
0x97: {  	s5 =	sld [smem:$0x3FFB];
	_ =	sdelay $0x3  }
0x98: {  	_ =	strace s5  }
0x99: {  	s5 =	sld [smem:$0x3FFC];
	_ =	sdelay $0x3  }
0x9a: {  	_ =	strace s5  }
0x9b: {  	s5 =	sld [smem:$0x3FFD];
	_ =	sdelay $0x3  }
0x9c: {  	_ =	strace s5  }
0x9d: {  	_ =	strace $0x8FFFFFFF  }
0x9e: {  	s19 =	sld [smem:$0x3FDB];
	_ =	sdelay $0x1  }
0x9f: {  	s6 =	simm.s32 $_scs_section_size  }
0xa0: {  	s7 =	simm.s32 $_size__tile_overlayer_lowered;
	s8 =	simm.s32 $_tile_overlayer_lowered  }
0xa1: {  	s22 =	simm.s32 $0x1BFF;
	s21 =	sshll.u32 s8, $0x1;
	s5 =	sadd.s32 s6, s19  }
0xa2: {  	s9 =	simm.s32 $0x0;
	s20 =	sshll.u32 s7, $0x1;
	s7 =	sadd.s32 s21, s5  }
0xa3: {  	[timem:s9], [sflag:s22] =	dma.local [hbm:s7], s20  }
0xa4: {  	_ =	swait.ge [sflag:s22], s20  }
0xa5: {  	s6 =	ssub.s32 $0x0, s20;
	[sflag:s22] =	ssyncset.done $0x0  }
0xa6: {  	[sflag:s22] =	ssyncadd.s32 s6;
	_ =	sdelay $0x1  }
0xa7: {  	s23 =	simm.s32 $0x1B8B  }
0xa8: {  	_ =	swait.ge [sflag:s23], $0x1  }
0xa9: {  	[sflag:s23] =	ssyncset.done $0x0  }
0xaa: {  	s25 =	simm.s32 $0x1B8E;
	s24 =	sld [smem:$0x3FFE];
	[sflag:s23] =	ssyncadd.s32 $0xFFFFFFFF  }
0xab: {  	s26 =	simm.s32 $execute0_lowered;
	[smem:$0x3FD2] =	sst s25  }
0xac: {  	s7 =	sshll.u32 s26, $0x1;
	_ =	strace $0x80000046;
	[dreg:$0x1] =	wrdreg $0xFFFFFFFF  }
0xad: {  	s28 =	simm.s32 $_size_execute0_lowered;
	s5 =	sadd.s32 s5, s7;
	[dreg:$0x0] =	wrdreg $0x0  }
0xae: {  	s7 =	sshll.u32 s28, $0x1;
	[dreg:$0x2] =	wrdreg s5  }
0xaf: {  	[dreg:$0x3] =	wrdreg s7  }
0xb0: {  	[dreg:$0x4] =	wrdreg $0xC0  }
0xb1: {  	_ =	task [dreg:s9], $0x5FFFF  }
0xb2: {  	[dreg:$0x1] =	wrdreg $0xFFFFFFFF  }
0xb3: {  	[dreg:$0x0] =	wrdreg $0x60  }
0xb4: {  	[dreg:$0x2] =	wrdreg s24  }
0xb5: {  	[dreg:$0x3] =	wrdreg s17  }
0xb6: {  	[dreg:$0x4] =	wrdreg s18  }
0xb7: {  	[dreg:$0x5] =	wrdreg s16  }
0xb8: {  	[dreg:$0x6] =	wrdreg $0xA  }
0xb9: {  	_ =	task.clear_ibuf [dreg:s9], $0x7FFFF;
	_ =	strace $0x90000046  }
0xba: {  	s29 =	simm.s32 $0xA;
	_ =	strace $0x80000048  }
0xbb: {  	_ =	swait.ge [sflag:s29], $0x1  }
0xbc: {  	[sflag:s29] =	ssyncadd.s32 $0xFFFFFFFF  }
0xbd: {  	_ =	strace $0x90000048  }
0xbe: {  	_ =	sfence  }
0xbf: {  	s30 =	sld [smem:$0x0];
	_ =	sdelay $0x2  }
0xc0: {  	s31 =	sshll.u32 s1, $0xD;
	s1 =	sshrl.u32 s1, $0x2  }
0xc1: {  	s3 =	sand.u32 $0x4000, s31;
	s1 =	sadd.s32 s1, s30  }
0xc2: {  	s0 =	sor.u32 s3, s0;
	s1 =	sshll.u32 s1, $0x11  }
0xc3: {  	s0 =	sor.u32 s1, s0  }
0xc4: {  	s0 =	sadd.s32 $0x8F2B, s0  }
0xc5: {  	[sflag:s0] =	ssyncadd.remote.s32 $0x1  }
0xc6: {  	_ =	sfence.sel $0xFFFF  }
0xc7: {  	[dreg:$0x0] =	wrdreg $0xFFFFFFFF;
	(pc) =	sbr.abs _section_cstart, $3  }
0xc8: {  	[dreg:$0x1] =	wrdreg $0xFFFFFFFF  }
0xc9: {  	_ =	task.clear_ibuf [dreg:s9], $0x2FFFF;
	_ =	strace $0x9FFFFFFF  }
0xca: {  	(tm) =	ssettm $0x7FFFFFFF  }
0xcb: {  	_ =	shalt  }
tec
execute0_lowered:
.L_overlay_start_1:
0x0: {  	(tag) =	ssettag $0x1  }
0x1: {  	s0 =	rddreg [dreg:$0x0]  }
0x2: {  	s1 =	rddreg [dreg:$0x1]  }
0x3: {  	s2 =	rddreg [dreg:$0x2]  }
0x4: {  	s5 =	rddreg [dreg:$0x3]  }
0x5: {  	s4 =	srdreg.scid;
	s3 =	simm.s32 $0x0;
	s7 =	stileid.u32  }
0x6: {  	s14 =	simm.s32 $0x1;
	s16 =	simm.s32 $0x880;
	s17 =	simm.s32 $0x1080  }
0x7: {  	s18 =	simm.s32 $0x1880;
	s28 =	simm.s32 $0x5880;
	s29 =	simm.s32 $0x6080  }
0x8: {  	s30 =	simm.s32 $0x6880;
	s31 =	simm.s32 $0x7080;
	s10 =	simm.s32 $0xA080  }
0x9: {  	s11 =	simm.s32 $0xA880;
	s12 =	simm.s32 $0xB080;
	s13 =	simm.s32 $0xB880  }
0xa: {  	s6 =	sand.u32 $0x1, s4;
	[smem:$0x7FF] =	sst s3;
	s19 =	sshll.u32 s7, $0x9  }
0xb: {  	s4 =	sadd.s32 $0x2C00, s0;
	s0 =	sadd.s32 $0x22E00, s0;
	s20 =	sshll.u32 s6, $0x8  }
0xc: {  	_ =	strace $0x80000047;
	s6 =	ssub.s32 $0x2, s6;
	s7 =	sor.u32 s20, s19  }
0xd: {  	s24 =	sshrl.u32 s6, $0x1;
	s19 =	simm.s32 $0x2080;
	s20 =	simm.s32 $0x2880  }
0xe: {  	s8 =	sshrl.u32 s7, $0x3;
	s9 =	sshll.u32 s7, $0x5;
	s7 =	sor.u32 $0x80, s7  }
0xf: {  	s26 =	ssub.s32 s6, s24;
	s6 =	simm.s32 $0x2;
	s8 =	sadd.s32 s2, s8  }
0x10: {  	s24 =	simm.s32 $0x4080;
	s21 =	sadd.s32 s5, s9;
	[dreg:$0x5] =	wrdreg s8  }
0x11: {  	s22 =	sadd.s32 s0, s9;
	s23 =	sshrl.u32 s7, $0x3;
	[dreg:$0x6] =	wrdreg s21  }
0x12: {  	s7 =	sshll.u32 s7, $0x5;
	s9 =	simm.s32 $0x9880;
	[dreg:$0x7] =	wrdreg s22  }
0x13: {  	s2 =	sadd.s32 s2, s23;
	s25 =	sadd.s32 s5, s7;
	s0 =	sadd.s32 s0, s7  }
0x14: {  	s5 =	smax.u32 s26, $0x1;
	s21 =	simm.s32 $0x3080;
	s22 =	simm.s32 $0x3880  }
0x15: {  	v2 =	vlaneseq.u32;
	s26 =	simm.s32 $0x5080;
	s23 =	simm.s32 $0x7880;
	[dreg:$0x8] =	wrdreg s2  }
0x16: {  	vm0 =	vmmov $0xffff;
	v1 =	vshrl.u32 v2, $0x3;
	s8 =	simm.s32 $0x9080;
	s7 =	simm.s32 $0xC080;
	[dreg:$0x9] =	wrdreg s25  }
0x17: {  	v0 =	vand.u32 $0x7, v2;
	v2 =	vor.u32 $0x8, v2;
	v1 =	vmul.u32 $0x8, v1;
	[dreg:$0xa] =	wrdreg s0;
	s25 =	simm.s32 $0x4880;
	s2 =	simm.s32 $0x8080  }
.LBB2_1:
0x18: {  	s15 =	rddreg [dreg:$0x5]  }
0x19: {  	[tilespmem:s3], [sflag:$0x2] =	stream.linear.gather [hbm4b:s15+s3], $0x80, $0x38;
	[tilespmem:$0x10080] =	vst v63  }
0x1a: {  	_ =	swait.ge [sflag:s6], $0x80  }
0x1b: {  	[sflag:s6] =	ssyncset.done $0x0  }
0x1c: {  	[sflag:s6] =	ssyncadd.s32 $0xFFFFFF80  }
0x1d: {  	v3 =	vld [tilespmem:$0x0];
	_ =	sdelay $0x4  }
0x1e: {  	v4 =	vshll.u32 v3, $0x1  }
0x1f: {  	v3 =	vand.u32 $0x7, v3;
	v4 =	vand.u32 $0xFFFFFFF0, v4  }
0x20: {  	v3 =	vor.u32 v3, v4  }
0x21: {  	v4 =	vperm.xlane v3, v0;
	_ =	sdelay $0x1  }
0x22: {  	v3 =	vperm.xlane v3, v2;
	v4 =	vadd.s32 v1, v4;
	_ =	sdelay $0x1  }
0x23: {  	v3 =	vadd.s32 v1, v3;
	_ =	sdelay $0x1  }
0x24: {  	s0 =	simm.s32 $0x80  }
0x25: {  	[tilespmem:s0], [sflag:$0x1] =	stream.indirect_vreg.gather [hbm4b:s4+s3], $0x80, v4, vm0, $0xb8;
	[tilespmem:$0x10080] =	vst v63  }
0x26: {  	_ = 	snop  }
0x27: {  	[tilespmem:s16], [sflag:$0x1] =	stream.indirect_vreg.gather [hbm4b:s4+s3], $0x80, v3, vm0, $0xb8;
	[tilespmem:$0x10080] =	vst v63  }
0x28: {  	v3 =	vld [tilespmem:$0x10];
	_ =	sdelay $0x4  }
0x29: {  	v33 =	vshll.u32 v3, $0x1  }
0x2a: {  	v3 =	vand.u32 $0x7, v3;
	v4 =	vand.u32 $0xFFFFFFF0, v33  }
0x2b: {  	v3 =	vor.u32 v3, v4  }
0x2c: {  	v4 =	vperm.xlane v3, v0;
	_ =	sdelay $0x1  }
0x2d: {  	v3 =	vperm.xlane v3, v2;
	v4 =	vadd.s32 v1, v4;
	_ =	sdelay $0x1  }
0x2e: {  	v3 =	vadd.s32 v1, v3;
	_ =	sdelay $0x2  }
0x2f: {  	[tilespmem:s17], [sflag:$0x1] =	stream.indirect_vreg.gather [hbm4b:s4+s3], $0x80, v4, vm0, $0xb8;
	[tilespmem:$0x10080] =	vst v63  }
0x30: {  	_ = 	snop  }
0x31: {  	[tilespmem:s18], [sflag:$0x1] =	stream.indirect_vreg.gather [hbm4b:s4+s3], $0x80, v3, vm0, $0xb8;
	[tilespmem:$0x10080] =	vst v63  }
0x32: {  	v3 =	vld [tilespmem:$0x20];
	_ =	sdelay $0x4  }
0x33: {  	v34 =	vshll.u32 v3, $0x1  }
0x34: {  	v3 =	vand.u32 $0x7, v3;
	v4 =	vand.u32 $0xFFFFFFF0, v34  }
0x35: {  	v3 =	vor.u32 v3, v4  }
0x36: {  	v4 =	vperm.xlane v3, v0;
	_ =	sdelay $0x1  }
0x37: {  	v3 =	vperm.xlane v3, v2;
	v4 =	vadd.s32 v1, v4;
	_ =	sdelay $0x1  }
0x38: {  	v3 =	vadd.s32 v1, v3;
	_ =	sdelay $0x2  }
0x39: {  	[tilespmem:s19], [sflag:$0x1] =	stream.indirect_vreg.gather [hbm4b:s4+s3], $0x80, v4, vm0, $0xb8;
	[tilespmem:$0x10080] =	vst v63  }
0x3a: {  	_ = 	snop  }
0x3b: {  	[tilespmem:s20], [sflag:$0x1] =	stream.indirect_vreg.gather [hbm4b:s4+s3], $0x80, v3, vm0, $0xb8;
	[tilespmem:$0x10080] =	vst v63  }
0x3c: {  	v3 =	vld [tilespmem:$0x30];
	_ =	sdelay $0x4  }
0x3d: {  	v35 =	vshll.u32 v3, $0x1  }
0x3e: {  	v3 =	vand.u32 $0x7, v3;
	v4 =	vand.u32 $0xFFFFFFF0, v35  }
0x3f: {  	v3 =	vor.u32 v3, v4  }
0x40: {  	v4 =	vperm.xlane v3, v0;
	_ =	sdelay $0x1  }
0x41: {  	v3 =	vperm.xlane v3, v2;
	v4 =	vadd.s32 v1, v4;
	_ =	sdelay $0x1  }
0x42: {  	v3 =	vadd.s32 v1, v3;
	_ =	sdelay $0x2  }
0x43: {  	[tilespmem:s21], [sflag:$0x1] =	stream.indirect_vreg.gather [hbm4b:s4+s3], $0x80, v4, vm0, $0xb8;
	[tilespmem:$0x10080] =	vst v63  }
0x44: {  	_ = 	snop  }
0x45: {  	[tilespmem:s22], [sflag:$0x1] =	stream.indirect_vreg.gather [hbm4b:s4+s3], $0x80, v3, vm0, $0xb8;
	[tilespmem:$0x10080] =	vst v63  }
0x46: {  	v3 =	vld [tilespmem:$0x40];
	_ =	sdelay $0x4  }
0x47: {  	v36 =	vshll.u32 v3, $0x1  }
0x48: {  	v3 =	vand.u32 $0x7, v3;
	v4 =	vand.u32 $0xFFFFFFF0, v36  }
0x49: {  	v3 =	vor.u32 v3, v4  }
0x4a: {  	v4 =	vperm.xlane v3, v0;
	_ =	sdelay $0x1  }
0x4b: {  	v3 =	vperm.xlane v3, v2;
	v4 =	vadd.s32 v1, v4;
	_ =	sdelay $0x1  }
0x4c: {  	v3 =	vadd.s32 v1, v3;
	_ =	sdelay $0x2  }
0x4d: {  	[tilespmem:s24], [sflag:$0x1] =	stream.indirect_vreg.gather [hbm4b:s4+s3], $0x80, v4, vm0, $0xb8;
	[tilespmem:$0x10080] =	vst v63  }
0x4e: {  	_ = 	snop  }
0x4f: {  	[tilespmem:s25], [sflag:$0x1] =	stream.indirect_vreg.gather [hbm4b:s4+s3], $0x80, v3, vm0, $0xb8;
	[tilespmem:$0x10080] =	vst v63  }
0x50: {  	v3 =	vld [tilespmem:$0x50];
	_ =	sdelay $0x4  }
0x51: {  	v37 =	vshll.u32 v3, $0x1  }
0x52: {  	v3 =	vand.u32 $0x7, v3;
	v4 =	vand.u32 $0xFFFFFFF0, v37  }
0x53: {  	v3 =	vor.u32 v3, v4  }
0x54: {  	v4 =	vperm.xlane v3, v0;
	_ =	sdelay $0x1  }
0x55: {  	v3 =	vperm.xlane v3, v2;
	v4 =	vadd.s32 v1, v4;
	_ =	sdelay $0x1  }
0x56: {  	v3 =	vadd.s32 v1, v3;
	_ =	sdelay $0x2  }
0x57: {  	[tilespmem:s26], [sflag:$0x1] =	stream.indirect_vreg.gather [hbm4b:s4+s3], $0x80, v4, vm0, $0xb8;
	[tilespmem:$0x10080] =	vst v63  }
0x58: {  	_ = 	snop  }
0x59: {  	[tilespmem:s28], [sflag:$0x1] =	stream.indirect_vreg.gather [hbm4b:s4+s3], $0x80, v3, vm0, $0xb8;
	[tilespmem:$0x10080] =	vst v63  }
0x5a: {  	v3 =	vld [tilespmem:$0x60];
	_ =	sdelay $0x4  }
0x5b: {  	v38 =	vshll.u32 v3, $0x1  }
0x5c: {  	v3 =	vand.u32 $0x7, v3;
	v4 =	vand.u32 $0xFFFFFFF0, v38  }
0x5d: {  	v3 =	vor.u32 v3, v4  }
0x5e: {  	v4 =	vperm.xlane v3, v0;
	_ =	sdelay $0x1  }
0x5f: {  	v3 =	vperm.xlane v3, v2;
	v4 =	vadd.s32 v1, v4;
	_ =	sdelay $0x1  }
0x60: {  	v3 =	vadd.s32 v1, v3;
	_ =	sdelay $0x2  }
0x61: {  	[tilespmem:s29], [sflag:$0x1] =	stream.indirect_vreg.gather [hbm4b:s4+s3], $0x80, v4, vm0, $0xb8;
	[tilespmem:$0x10080] =	vst v63  }
0x62: {  	_ = 	snop  }
0x63: {  	[tilespmem:s30], [sflag:$0x1] =	stream.indirect_vreg.gather [hbm4b:s4+s3], $0x80, v3, vm0, $0xb8;
	[tilespmem:$0x10080] =	vst v63  }
0x64: {  	v3 =	vld [tilespmem:$0x70];
	_ =	sdelay $0x4  }
0x65: {  	v39 =	vshll.u32 v3, $0x1  }
0x66: {  	v3 =	vand.u32 $0x7, v3;
	v4 =	vand.u32 $0xFFFFFFF0, v39  }
0x67: {  	v3 =	vor.u32 v3, v4  }
0x68: {  	v4 =	vperm.xlane v3, v0;
	_ =	sdelay $0x1  }
0x69: {  	v3 =	vperm.xlane v3, v2;
	v4 =	vadd.s32 v1, v4;
	_ =	sdelay $0x1  }
0x6a: {  	v3 =	vadd.s32 v1, v3;
	_ =	sdelay $0x2  }
0x6b: {  	[tilespmem:s31], [sflag:$0x1] =	stream.indirect_vreg.gather [hbm4b:s4+s3], $0x80, v4, vm0, $0xb8;
	[tilespmem:$0x10080] =	vst v63  }
0x6c: {  	_ = 	snop  }
0x6d: {  	[tilespmem:s23], [sflag:$0x1] =	stream.indirect_vreg.gather [hbm4b:s4+s3], $0x80, v3, vm0, $0xb8;
	[tilespmem:$0x10080] =	vst v63  }
0x6e: {  	v3 =	vld [tilespmem:$0x0];
	_ =	sdelay $0x4  }
0x6f: {  	v40 =	vshll.u32 v3, $0x1  }
0x70: {  	v3 =	vand.u32 $0x7, v3;
	v4 =	vand.u32 $0xFFFFFFF0, v40  }
0x71: {  	v3 =	vor.u32 v3, v4  }
0x72: {  	v4 =	vperm.xlane v3, v0;
	_ =	sdelay $0x1  }
0x73: {  	v3 =	vperm.xlane v3, v2;
	v4 =	vadd.s32 v1, v4;
	_ =	sdelay $0x1  }
0x74: {  	v3 =	vadd.s32 v1, v3;
	_ =	sdelay $0x2  }
0x75: {  	[tilespmem:s2], [sflag:$0x1] =	stream.indirect_vreg.gather [hbm4b:s1+s3], $0x80, v4, vm0, $0xb8;
	[tilespmem:$0x10080] =	vst v63  }
0x76: {  	s15 =	simm.s32 $0x8880  }
0x77: {  	[tilespmem:s15], [sflag:$0x1] =	stream.indirect_vreg.gather [hbm4b:s1+s3], $0x80, v3, vm0, $0xb8;
	[tilespmem:$0x10080] =	vst v63  }
0x78: {  	v3 =	vld [tilespmem:$0x10];
	_ =	sdelay $0x4  }
0x79: {  	v41 =	vshll.u32 v3, $0x1  }
0x7a: {  	v3 =	vand.u32 $0x7, v3;
	v4 =	vand.u32 $0xFFFFFFF0, v41  }
0x7b: {  	v3 =	vor.u32 v3, v4  }
0x7c: {  	v4 =	vperm.xlane v3, v0;
	_ =	sdelay $0x1  }
0x7d: {  	v3 =	vperm.xlane v3, v2;
	v4 =	vadd.s32 v1, v4;
	_ =	sdelay $0x1  }
0x7e: {  	v3 =	vadd.s32 v1, v3;
	_ =	sdelay $0x2  }
0x7f: {  	[tilespmem:s8], [sflag:$0x1] =	stream.indirect_vreg.gather [hbm4b:s1+s3], $0x80, v4, vm0, $0xb8;
	[tilespmem:$0x10080] =	vst v63  }
0x80: {  	_ = 	snop  }
0x81: {  	[tilespmem:s9], [sflag:$0x1] =	stream.indirect_vreg.gather [hbm4b:s1+s3], $0x80, v3, vm0, $0xb8;
	[tilespmem:$0x10080] =	vst v63  }
0x82: {  	v3 =	vld [tilespmem:$0x20];
	_ =	sdelay $0x4  }
0x83: {  	v42 =	vshll.u32 v3, $0x1  }
0x84: {  	v3 =	vand.u32 $0x7, v3;
	v4 =	vand.u32 $0xFFFFFFF0, v42  }
0x85: {  	v3 =	vor.u32 v3, v4  }
0x86: {  	v4 =	vperm.xlane v3, v0;
	_ =	sdelay $0x1  }
0x87: {  	v3 =	vperm.xlane v3, v2;
	v4 =	vadd.s32 v1, v4;
	_ =	sdelay $0x1  }
0x88: {  	v3 =	vadd.s32 v1, v3;
	_ =	sdelay $0x2  }
0x89: {  	[tilespmem:s10], [sflag:$0x1] =	stream.indirect_vreg.gather [hbm4b:s1+s3], $0x80, v4, vm0, $0xb8;
	[tilespmem:$0x10080] =	vst v63  }
0x8a: {  	_ = 	snop  }
0x8b: {  	[tilespmem:s11], [sflag:$0x1] =	stream.indirect_vreg.gather [hbm4b:s1+s3], $0x80, v3, vm0, $0xb8;
	[tilespmem:$0x10080] =	vst v63  }
0x8c: {  	v3 =	vld [tilespmem:$0x30];
	_ =	sdelay $0x4  }
0x8d: {  	v43 =	vshll.u32 v3, $0x1  }
0x8e: {  	v3 =	vand.u32 $0x7, v3;
	v4 =	vand.u32 $0xFFFFFFF0, v43  }
0x8f: {  	v3 =	vor.u32 v3, v4  }
0x90: {  	v4 =	vperm.xlane v3, v0;
	_ =	sdelay $0x1  }
0x91: {  	v3 =	vperm.xlane v3, v2;
	v4 =	vadd.s32 v1, v4;
	_ =	sdelay $0x1  }
0x92: {  	v3 =	vadd.s32 v1, v3;
	_ =	sdelay $0x2  }
0x93: {  	[tilespmem:s12], [sflag:$0x1] =	stream.indirect_vreg.gather [hbm4b:s1+s3], $0x80, v4, vm0, $0xb8;
	[tilespmem:$0x10080] =	vst v63  }
0x94: {  	_ = 	snop  }
0x95: {  	[tilespmem:s13], [sflag:$0x1] =	stream.indirect_vreg.gather [hbm4b:s1+s3], $0x80, v3, vm0, $0xb8;
	[tilespmem:$0x10080] =	vst v63  }
0x96: {  	v3 =	vld [tilespmem:$0x40];
	_ =	sdelay $0x4  }
0x97: {  	v44 =	vshll.u32 v3, $0x1  }
0x98: {  	v3 =	vand.u32 $0x7, v3;
	v4 =	vand.u32 $0xFFFFFFF0, v44  }
0x99: {  	v3 =	vor.u32 v3, v4  }
0x9a: {  	v4 =	vperm.xlane v3, v0;
	_ =	sdelay $0x1  }
0x9b: {  	v3 =	vperm.xlane v3, v2;
	v4 =	vadd.s32 v1, v4;
	_ =	sdelay $0x1  }
0x9c: {  	v3 =	vadd.s32 v1, v3;
	_ =	sdelay $0x2  }
0x9d: {  	[tilespmem:s7], [sflag:$0x1] =	stream.indirect_vreg.gather [hbm4b:s1+s3], $0x80, v4, vm0, $0xb8;
	[tilespmem:$0x10080] =	vst v63  }
0x9e: {  	s15 =	simm.s32 $0xC880  }
0x9f: {  	[tilespmem:s15], [sflag:$0x1] =	stream.indirect_vreg.gather [hbm4b:s1+s3], $0x80, v3, vm0, $0xb8;
	[tilespmem:$0x10080] =	vst v63  }
0xa0: {  	v3 =	vld [tilespmem:$0x50];
	_ =	sdelay $0x4  }
0xa1: {  	v45 =	vshll.u32 v3, $0x1  }
0xa2: {  	v3 =	vand.u32 $0x7, v3;
	v4 =	vand.u32 $0xFFFFFFF0, v45  }
0xa3: {  	v3 =	vor.u32 v3, v4  }
0xa4: {  	v4 =	vperm.xlane v3, v0;
	_ =	sdelay $0x1  }
0xa5: {  	v3 =	vperm.xlane v3, v2;
	v4 =	vadd.s32 v1, v4;
	_ =	sdelay $0x1  }
0xa6: {  	v3 =	vadd.s32 v1, v3;
	_ =	sdelay $0x1  }
0xa7: {  	s15 =	simm.s32 $0xD080  }
0xa8: {  	[tilespmem:s15], [sflag:$0x1] =	stream.indirect_vreg.gather [hbm4b:s1+s3], $0x80, v4, vm0, $0xb8;
	[tilespmem:$0x10080] =	vst v63  }
0xa9: {  	s15 =	simm.s32 $0xD880  }
0xaa: {  	[tilespmem:s15], [sflag:$0x1] =	stream.indirect_vreg.gather [hbm4b:s1+s3], $0x80, v3, vm0, $0xb8;
	[tilespmem:$0x10080] =	vst v63  }
0xab: {  	v3 =	vld [tilespmem:$0x60];
	_ =	sdelay $0x4  }
0xac: {  	v46 =	vshll.u32 v3, $0x1  }
0xad: {  	v3 =	vand.u32 $0x7, v3;
	v4 =	vand.u32 $0xFFFFFFF0, v46  }
0xae: {  	v3 =	vor.u32 v3, v4  }
0xaf: {  	v4 =	vperm.xlane v3, v0;
	_ =	sdelay $0x1  }
0xb0: {  	v3 =	vperm.xlane v3, v2;
	v4 =	vadd.s32 v1, v4;
	_ =	sdelay $0x1  }
0xb1: {  	v3 =	vadd.s32 v1, v3;
	_ =	sdelay $0x1  }
0xb2: {  	s15 =	simm.s32 $0xE080  }
0xb3: {  	[tilespmem:s15], [sflag:$0x1] =	stream.indirect_vreg.gather [hbm4b:s1+s3], $0x80, v4, vm0, $0xb8;
	[tilespmem:$0x10080] =	vst v63  }
0xb4: {  	s15 =	simm.s32 $0xE880  }
0xb5: {  	[tilespmem:s15], [sflag:$0x1] =	stream.indirect_vreg.gather [hbm4b:s1+s3], $0x80, v3, vm0, $0xb8;
	[tilespmem:$0x10080] =	vst v63  }
0xb6: {  	v3 =	vld [tilespmem:$0x70];
	_ =	sdelay $0x4  }
0xb7: {  	v47 =	vshll.u32 v3, $0x1  }
0xb8: {  	v3 =	vand.u32 $0x7, v3;
	v4 =	vand.u32 $0xFFFFFFF0, v47  }
0xb9: {  	v3 =	vor.u32 v3, v4  }
0xba: {  	v4 =	vperm.xlane v3, v0;
	_ =	sdelay $0x1  }
0xbb: {  	v3 =	vperm.xlane v3, v2;
	v4 =	vadd.s32 v1, v4;
	_ =	sdelay $0x1  }
0xbc: {  	v3 =	vadd.s32 v1, v3;
	_ =	sdelay $0x1  }
0xbd: {  	s15 =	simm.s32 $0xF080  }
0xbe: {  	[tilespmem:s15], [sflag:$0x1] =	stream.indirect_vreg.gather [hbm4b:s1+s3], $0x80, v4, vm0, $0xb8;
	[tilespmem:$0x10080] =	vst v63  }
0xbf: {  	s15 =	simm.s32 $0xF880  }
0xc0: {  	[tilespmem:s15], [sflag:$0x1] =	stream.indirect_vreg.gather [hbm4b:s1+s3], $0x80, v3, vm0, $0xb8;
	[tilespmem:$0x10080] =	vst v63  }
0xc1: {  	_ =	swait.ge [sflag:s14], $0x8000  }
0xc2: {  	[sflag:s14] =	ssyncset.done $0x0  }
0xc3: {  	[sflag:s14] =	ssyncadd.s32 $0xFFFF8000  }
0xc4: {  	_ =	swait.ge [sflag:s14], $0x8000  }
0xc5: {  	[sflag:s14] =	ssyncset.done $0x0  }
0xc6: {  	s0 =	simm.s32 $0x80;
	s15 =	rddreg [dreg:$0x6];
	[sflag:s14] =	ssyncadd.s32 $0xFFFF8000  }
0xc7: {  	[hbm4b:s15+s3] =	stream.linear.scatter [tilespmem:s0], [sflag:$0x2], $0x8000, $0x38;
	[tilespmem:$0x10080] =	vst v63  }
0xc8: {  	_ =	swait.ge [sflag:s6], $0x8000  }
0xc9: {  	[sflag:s6] =	ssyncset.done $0x0  }
0xca: {  	s15 =	rddreg [dreg:$0x7];
	[sflag:s6] =	ssyncadd.s32 $0xFFFF8000  }
0xcb: {  	[hbm4b:s15+s3] =	stream.linear.scatter [tilespmem:s2], [sflag:$0x2], $0x8000, $0x38;
	[tilespmem:$0x10080] =	vst v63  }
0xcc: {  	_ =	swait.ge [sflag:s6], $0x8000  }
0xcd: {  	[sflag:s6] =	ssyncset.done $0x0  }
0xce: {  	s15 =	rddreg [dreg:$0x8];
	[sflag:s6] =	ssyncadd.s32 $0xFFFF8000  }
0xcf: {  	[tilespmem:s3], [sflag:$0x2] =	stream.linear.gather [hbm4b:s15+s3], $0x80, $0x38;
	[tilespmem:$0x10080] =	vst v63  }
0xd0: {  	_ =	swait.ge [sflag:s6], $0x80  }
0xd1: {  	[sflag:s6] =	ssyncset.done $0x0  }
0xd2: {  	[sflag:s6] =	ssyncadd.s32 $0xFFFFFF80  }
0xd3: {  	v3 =	vld [tilespmem:$0x0];
	_ =	sdelay $0x4  }
0xd4: {  	v48 =	vshll.u32 v3, $0x1  }
0xd5: {  	v3 =	vand.u32 $0x7, v3;
	v4 =	vand.u32 $0xFFFFFFF0, v48  }
0xd6: {  	v3 =	vor.u32 v3, v4  }
0xd7: {  	v4 =	vperm.xlane v3, v0;
	_ =	sdelay $0x1  }
0xd8: {  	v3 =	vperm.xlane v3, v2;
	v4 =	vadd.s32 v1, v4;
	_ =	sdelay $0x1  }
0xd9: {  	v3 =	vadd.s32 v1, v3;
	_ =	sdelay $0x2  }
0xda: {  	[tilespmem:s0], [sflag:$0x1] =	stream.indirect_vreg.gather [hbm4b:s4+s3], $0x80, v4, vm0, $0xb8;
	[tilespmem:$0x10080] =	vst v63  }
0xdb: {  	_ = 	snop  }
0xdc: {  	[tilespmem:s16], [sflag:$0x1] =	stream.indirect_vreg.gather [hbm4b:s4+s3], $0x80, v3, vm0, $0xb8;
	[tilespmem:$0x10080] =	vst v63  }
0xdd: {  	v3 =	vld [tilespmem:$0x10];
	_ =	sdelay $0x4  }
0xde: {  	v49 =	vshll.u32 v3, $0x1  }
0xdf: {  	v3 =	vand.u32 $0x7, v3;
	v4 =	vand.u32 $0xFFFFFFF0, v49  }
0xe0: {  	v3 =	vor.u32 v3, v4  }
0xe1: {  	v4 =	vperm.xlane v3, v0;
	_ =	sdelay $0x1  }
0xe2: {  	v3 =	vperm.xlane v3, v2;
	v4 =	vadd.s32 v1, v4;
	_ =	sdelay $0x1  }
0xe3: {  	v3 =	vadd.s32 v1, v3;
	_ =	sdelay $0x2  }
0xe4: {  	[tilespmem:s17], [sflag:$0x1] =	stream.indirect_vreg.gather [hbm4b:s4+s3], $0x80, v4, vm0, $0xb8;
	[tilespmem:$0x10080] =	vst v63  }
0xe5: {  	_ = 	snop  }
0xe6: {  	[tilespmem:s18], [sflag:$0x1] =	stream.indirect_vreg.gather [hbm4b:s4+s3], $0x80, v3, vm0, $0xb8;
	[tilespmem:$0x10080] =	vst v63  }
0xe7: {  	v3 =	vld [tilespmem:$0x20];
	_ =	sdelay $0x4  }
0xe8: {  	v50 =	vshll.u32 v3, $0x1  }
0xe9: {  	v3 =	vand.u32 $0x7, v3;
	v4 =	vand.u32 $0xFFFFFFF0, v50  }
0xea: {  	v3 =	vor.u32 v3, v4  }
0xeb: {  	v4 =	vperm.xlane v3, v0;
	_ =	sdelay $0x1  }
0xec: {  	v3 =	vperm.xlane v3, v2;
	v4 =	vadd.s32 v1, v4;
	_ =	sdelay $0x1  }
0xed: {  	v3 =	vadd.s32 v1, v3;
	_ =	sdelay $0x2  }
0xee: {  	[tilespmem:s19], [sflag:$0x1] =	stream.indirect_vreg.gather [hbm4b:s4+s3], $0x80, v4, vm0, $0xb8;
	[tilespmem:$0x10080] =	vst v63  }
0xef: {  	_ = 	snop  }
0xf0: {  	[tilespmem:s20], [sflag:$0x1] =	stream.indirect_vreg.gather [hbm4b:s4+s3], $0x80, v3, vm0, $0xb8;
	[tilespmem:$0x10080] =	vst v63  }
0xf1: {  	v3 =	vld [tilespmem:$0x30];
	_ =	sdelay $0x4  }
0xf2: {  	v51 =	vshll.u32 v3, $0x1  }
0xf3: {  	v3 =	vand.u32 $0x7, v3;
	v4 =	vand.u32 $0xFFFFFFF0, v51  }
0xf4: {  	v3 =	vor.u32 v3, v4  }
0xf5: {  	v4 =	vperm.xlane v3, v0;
	_ =	sdelay $0x1  }
0xf6: {  	v3 =	vperm.xlane v3, v2;
	v4 =	vadd.s32 v1, v4;
	_ =	sdelay $0x1  }
0xf7: {  	v3 =	vadd.s32 v1, v3;
	_ =	sdelay $0x2  }
0xf8: {  	[tilespmem:s21], [sflag:$0x1] =	stream.indirect_vreg.gather [hbm4b:s4+s3], $0x80, v4, vm0, $0xb8;
	[tilespmem:$0x10080] =	vst v63  }
0xf9: {  	_ = 	snop  }
0xfa: {  	[tilespmem:s22], [sflag:$0x1] =	stream.indirect_vreg.gather [hbm4b:s4+s3], $0x80, v3, vm0, $0xb8;
	[tilespmem:$0x10080] =	vst v63  }
0xfb: {  	v3 =	vld [tilespmem:$0x40];
	_ =	sdelay $0x4  }
0xfc: {  	v52 =	vshll.u32 v3, $0x1  }
0xfd: {  	v3 =	vand.u32 $0x7, v3;
	v4 =	vand.u32 $0xFFFFFFF0, v52  }
0xfe: {  	v3 =	vor.u32 v3, v4  }
0xff: {  	v4 =	vperm.xlane v3, v0;
	_ =	sdelay $0x1  }
0x100: {  	v3 =	vperm.xlane v3, v2;
	v4 =	vadd.s32 v1, v4;
	_ =	sdelay $0x1  }
0x101: {  	v3 =	vadd.s32 v1, v3;
	_ =	sdelay $0x2  }
0x102: {  	[tilespmem:s24], [sflag:$0x1] =	stream.indirect_vreg.gather [hbm4b:s4+s3], $0x80, v4, vm0, $0xb8;
	[tilespmem:$0x10080] =	vst v63  }
0x103: {  	_ = 	snop  }
0x104: {  	[tilespmem:s25], [sflag:$0x1] =	stream.indirect_vreg.gather [hbm4b:s4+s3], $0x80, v3, vm0, $0xb8;
	[tilespmem:$0x10080] =	vst v63  }
0x105: {  	v3 =	vld [tilespmem:$0x50];
	_ =	sdelay $0x4  }
0x106: {  	v53 =	vshll.u32 v3, $0x1  }
0x107: {  	v3 =	vand.u32 $0x7, v3;
	v4 =	vand.u32 $0xFFFFFFF0, v53  }
0x108: {  	v3 =	vor.u32 v3, v4  }
0x109: {  	v4 =	vperm.xlane v3, v0;
	_ =	sdelay $0x1  }
0x10a: {  	v3 =	vperm.xlane v3, v2;
	v4 =	vadd.s32 v1, v4;
	_ =	sdelay $0x1  }
0x10b: {  	v3 =	vadd.s32 v1, v3;
	_ =	sdelay $0x2  }
0x10c: {  	[tilespmem:s26], [sflag:$0x1] =	stream.indirect_vreg.gather [hbm4b:s4+s3], $0x80, v4, vm0, $0xb8;
	[tilespmem:$0x10080] =	vst v63  }
0x10d: {  	_ = 	snop  }
0x10e: {  	[tilespmem:s28], [sflag:$0x1] =	stream.indirect_vreg.gather [hbm4b:s4+s3], $0x80, v3, vm0, $0xb8;
	[tilespmem:$0x10080] =	vst v63  }
0x10f: {  	v3 =	vld [tilespmem:$0x60];
	_ =	sdelay $0x4  }
0x110: {  	v54 =	vshll.u32 v3, $0x1  }
0x111: {  	v3 =	vand.u32 $0x7, v3;
	v4 =	vand.u32 $0xFFFFFFF0, v54  }
0x112: {  	v3 =	vor.u32 v3, v4  }
0x113: {  	v4 =	vperm.xlane v3, v0;
	_ =	sdelay $0x1  }
0x114: {  	v3 =	vperm.xlane v3, v2;
	v4 =	vadd.s32 v1, v4;
	_ =	sdelay $0x1  }
0x115: {  	v3 =	vadd.s32 v1, v3;
	_ =	sdelay $0x2  }
0x116: {  	[tilespmem:s29], [sflag:$0x1] =	stream.indirect_vreg.gather [hbm4b:s4+s3], $0x80, v4, vm0, $0xb8;
	[tilespmem:$0x10080] =	vst v63  }
0x117: {  	_ = 	snop  }
0x118: {  	[tilespmem:s30], [sflag:$0x1] =	stream.indirect_vreg.gather [hbm4b:s4+s3], $0x80, v3, vm0, $0xb8;
	[tilespmem:$0x10080] =	vst v63  }
0x119: {  	v3 =	vld [tilespmem:$0x70];
	_ =	sdelay $0x4  }
0x11a: {  	v55 =	vshll.u32 v3, $0x1  }
0x11b: {  	v3 =	vand.u32 $0x7, v3;
	v4 =	vand.u32 $0xFFFFFFF0, v55  }
0x11c: {  	v3 =	vor.u32 v3, v4  }
0x11d: {  	v4 =	vperm.xlane v3, v0;
	_ =	sdelay $0x1  }
0x11e: {  	v3 =	vperm.xlane v3, v2;
	v4 =	vadd.s32 v1, v4;
	_ =	sdelay $0x1  }
0x11f: {  	v3 =	vadd.s32 v1, v3;
	_ =	sdelay $0x2  }
0x120: {  	[tilespmem:s31], [sflag:$0x1] =	stream.indirect_vreg.gather [hbm4b:s4+s3], $0x80, v4, vm0, $0xb8;
	[tilespmem:$0x10080] =	vst v63  }
0x121: {  	_ = 	snop  }
0x122: {  	[tilespmem:s23], [sflag:$0x1] =	stream.indirect_vreg.gather [hbm4b:s4+s3], $0x80, v3, vm0, $0xb8;
	[tilespmem:$0x10080] =	vst v63  }
0x123: {  	v3 =	vld [tilespmem:$0x0];
	_ =	sdelay $0x4  }
0x124: {  	v56 =	vshll.u32 v3, $0x1  }
0x125: {  	v3 =	vand.u32 $0x7, v3;
	v4 =	vand.u32 $0xFFFFFFF0, v56  }
0x126: {  	v3 =	vor.u32 v3, v4  }
0x127: {  	v4 =	vperm.xlane v3, v0;
	_ =	sdelay $0x1  }
0x128: {  	v3 =	vperm.xlane v3, v2;
	v4 =	vadd.s32 v1, v4;
	_ =	sdelay $0x1  }
0x129: {  	v3 =	vadd.s32 v1, v3;
	_ =	sdelay $0x2  }
0x12a: {  	[tilespmem:s2], [sflag:$0x1] =	stream.indirect_vreg.gather [hbm4b:s1+s3], $0x80, v4, vm0, $0xb8;
	[tilespmem:$0x10080] =	vst v63  }
0x12b: {  	s15 =	simm.s32 $0x8880  }
0x12c: {  	[tilespmem:s15], [sflag:$0x1] =	stream.indirect_vreg.gather [hbm4b:s1+s3], $0x80, v3, vm0, $0xb8;
	[tilespmem:$0x10080] =	vst v63  }
0x12d: {  	v3 =	vld [tilespmem:$0x10];
	_ =	sdelay $0x4  }
0x12e: {  	v57 =	vshll.u32 v3, $0x1  }
0x12f: {  	v3 =	vand.u32 $0x7, v3;
	v4 =	vand.u32 $0xFFFFFFF0, v57  }
0x130: {  	v3 =	vor.u32 v3, v4  }
0x131: {  	v4 =	vperm.xlane v3, v0;
	_ =	sdelay $0x1  }
0x132: {  	v3 =	vperm.xlane v3, v2;
	v4 =	vadd.s32 v1, v4;
	_ =	sdelay $0x1  }
0x133: {  	v3 =	vadd.s32 v1, v3;
	_ =	sdelay $0x2  }
0x134: {  	[tilespmem:s8], [sflag:$0x1] =	stream.indirect_vreg.gather [hbm4b:s1+s3], $0x80, v4, vm0, $0xb8;
	[tilespmem:$0x10080] =	vst v63  }
0x135: {  	_ = 	snop  }
0x136: {  	[tilespmem:s9], [sflag:$0x1] =	stream.indirect_vreg.gather [hbm4b:s1+s3], $0x80, v3, vm0, $0xb8;
	[tilespmem:$0x10080] =	vst v63  }
0x137: {  	v3 =	vld [tilespmem:$0x20];
	_ =	sdelay $0x4  }
0x138: {  	v58 =	vshll.u32 v3, $0x1  }
0x139: {  	v3 =	vand.u32 $0x7, v3;
	v4 =	vand.u32 $0xFFFFFFF0, v58  }
0x13a: {  	v3 =	vor.u32 v3, v4  }
0x13b: {  	v4 =	vperm.xlane v3, v0;
	_ =	sdelay $0x1  }
0x13c: {  	v3 =	vperm.xlane v3, v2;
	v4 =	vadd.s32 v1, v4;
	_ =	sdelay $0x1  }
0x13d: {  	v3 =	vadd.s32 v1, v3;
	_ =	sdelay $0x2  }
0x13e: {  	[tilespmem:s10], [sflag:$0x1] =	stream.indirect_vreg.gather [hbm4b:s1+s3], $0x80, v4, vm0, $0xb8;
	[tilespmem:$0x10080] =	vst v63  }
0x13f: {  	_ = 	snop  }
0x140: {  	[tilespmem:s11], [sflag:$0x1] =	stream.indirect_vreg.gather [hbm4b:s1+s3], $0x80, v3, vm0, $0xb8;
	[tilespmem:$0x10080] =	vst v63  }
0x141: {  	v3 =	vld [tilespmem:$0x30];
	_ =	sdelay $0x4  }
0x142: {  	v59 =	vshll.u32 v3, $0x1  }
0x143: {  	v3 =	vand.u32 $0x7, v3;
	v4 =	vand.u32 $0xFFFFFFF0, v59  }
0x144: {  	v3 =	vor.u32 v3, v4  }
0x145: {  	v4 =	vperm.xlane v3, v0;
	_ =	sdelay $0x1  }
0x146: {  	v3 =	vperm.xlane v3, v2;
	v4 =	vadd.s32 v1, v4;
	_ =	sdelay $0x1  }
0x147: {  	v3 =	vadd.s32 v1, v3;
	_ =	sdelay $0x2  }
0x148: {  	[tilespmem:s12], [sflag:$0x1] =	stream.indirect_vreg.gather [hbm4b:s1+s3], $0x80, v4, vm0, $0xb8;
	[tilespmem:$0x10080] =	vst v63  }
0x149: {  	_ = 	snop  }
0x14a: {  	[tilespmem:s13], [sflag:$0x1] =	stream.indirect_vreg.gather [hbm4b:s1+s3], $0x80, v3, vm0, $0xb8;
	[tilespmem:$0x10080] =	vst v63  }
0x14b: {  	v3 =	vld [tilespmem:$0x40];
	_ =	sdelay $0x4  }
0x14c: {  	v60 =	vshll.u32 v3, $0x1  }
0x14d: {  	v3 =	vand.u32 $0x7, v3;
	v4 =	vand.u32 $0xFFFFFFF0, v60  }
0x14e: {  	v3 =	vor.u32 v3, v4  }
0x14f: {  	v4 =	vperm.xlane v3, v0;
	_ =	sdelay $0x1  }
0x150: {  	v3 =	vperm.xlane v3, v2;
	v4 =	vadd.s32 v1, v4;
	_ =	sdelay $0x1  }
0x151: {  	v3 =	vadd.s32 v1, v3;
	_ =	sdelay $0x2  }
0x152: {  	[tilespmem:s7], [sflag:$0x1] =	stream.indirect_vreg.gather [hbm4b:s1+s3], $0x80, v4, vm0, $0xb8;
	[tilespmem:$0x10080] =	vst v63  }
0x153: {  	s15 =	simm.s32 $0xC880  }
0x154: {  	[tilespmem:s15], [sflag:$0x1] =	stream.indirect_vreg.gather [hbm4b:s1+s3], $0x80, v3, vm0, $0xb8;
	[tilespmem:$0x10080] =	vst v63  }
0x155: {  	v3 =	vld [tilespmem:$0x50];
	_ =	sdelay $0x4  }
0x156: {  	v61 =	vshll.u32 v3, $0x1  }
0x157: {  	v3 =	vand.u32 $0x7, v3;
	v4 =	vand.u32 $0xFFFFFFF0, v61  }
0x158: {  	v3 =	vor.u32 v3, v4  }
0x159: {  	v4 =	vperm.xlane v3, v0;
	_ =	sdelay $0x1  }
0x15a: {  	v3 =	vperm.xlane v3, v2;
	v4 =	vadd.s32 v1, v4;
	_ =	sdelay $0x1  }
0x15b: {  	v3 =	vadd.s32 v1, v3;
	_ =	sdelay $0x1  }
0x15c: {  	s15 =	simm.s32 $0xD080  }
0x15d: {  	[tilespmem:s15], [sflag:$0x1] =	stream.indirect_vreg.gather [hbm4b:s1+s3], $0x80, v4, vm0, $0xb8;
	[tilespmem:$0x10080] =	vst v63  }
0x15e: {  	s15 =	simm.s32 $0xD880  }
0x15f: {  	[tilespmem:s15], [sflag:$0x1] =	stream.indirect_vreg.gather [hbm4b:s1+s3], $0x80, v3, vm0, $0xb8;
	[tilespmem:$0x10080] =	vst v63  }
0x160: {  	v3 =	vld [tilespmem:$0x60];
	_ =	sdelay $0x4  }
0x161: {  	v62 =	vshll.u32 v3, $0x1  }
0x162: {  	v3 =	vand.u32 $0x7, v3;
	v4 =	vand.u32 $0xFFFFFFF0, v62  }
0x163: {  	v3 =	vor.u32 v3, v4  }
0x164: {  	v4 =	vperm.xlane v3, v0;
	_ =	sdelay $0x1  }
0x165: {  	v3 =	vperm.xlane v3, v2;
	v4 =	vadd.s32 v1, v4;
	_ =	sdelay $0x1  }
0x166: {  	v3 =	vadd.s32 v1, v3;
	_ =	sdelay $0x1  }
0x167: {  	s15 =	simm.s32 $0xE080  }
0x168: {  	[tilespmem:s15], [sflag:$0x1] =	stream.indirect_vreg.gather [hbm4b:s1+s3], $0x80, v4, vm0, $0xb8;
	[tilespmem:$0x10080] =	vst v63  }
0x169: {  	s15 =	simm.s32 $0xE880  }
0x16a: {  	[tilespmem:s15], [sflag:$0x1] =	stream.indirect_vreg.gather [hbm4b:s1+s3], $0x80, v3, vm0, $0xb8;
	[tilespmem:$0x10080] =	vst v63  }
0x16b: {  	v3 =	vld [tilespmem:$0x70];
	_ =	sdelay $0x4  }
0x16c: {  	v63 =	vshll.u32 v3, $0x1  }
0x16d: {  	v3 =	vand.u32 $0x7, v3;
	v4 =	vand.u32 $0xFFFFFFF0, v63  }
0x16e: {  	v3 =	vor.u32 v3, v4  }
0x16f: {  	v4 =	vperm.xlane v3, v0;
	_ =	sdelay $0x1  }
0x170: {  	v3 =	vperm.xlane v3, v2;
	v4 =	vadd.s32 v1, v4;
	_ =	sdelay $0x1  }
0x171: {  	v3 =	vadd.s32 v1, v3;
	_ =	sdelay $0x1  }
0x172: {  	s15 =	simm.s32 $0xF080  }
0x173: {  	[tilespmem:s15], [sflag:$0x1] =	stream.indirect_vreg.gather [hbm4b:s1+s3], $0x80, v4, vm0, $0xb8;
	[tilespmem:$0x10080] =	vst v63  }
0x174: {  	s15 =	simm.s32 $0xF880  }
0x175: {  	[tilespmem:s15], [sflag:$0x1] =	stream.indirect_vreg.gather [hbm4b:s1+s3], $0x80, v3, vm0, $0xb8;
	[tilespmem:$0x10080] =	vst v63  }
0x176: {  	_ =	swait.ge [sflag:s14], $0x8000  }
0x177: {  	[sflag:s14] =	ssyncset.done $0x0  }
0x178: {  	[sflag:s14] =	ssyncadd.s32 $0xFFFF8000  }
0x179: {  	_ =	swait.ge [sflag:s14], $0x8000  }
0x17a: {  	[sflag:s14] =	ssyncset.done $0x0  }
0x17b: {  	s0 =	simm.s32 $0x80;
	s15 =	rddreg [dreg:$0x9];
	[sflag:s14] =	ssyncadd.s32 $0xFFFF8000  }
0x17c: {  	[hbm4b:s15+s3] =	stream.linear.scatter [tilespmem:s0], [sflag:$0x2], $0x8000, $0x38;
	[tilespmem:$0x10080] =	vst v63  }
0x17d: {  	_ =	swait.ge [sflag:s6], $0x8000  }
0x17e: {  	p0 =	sne.s32 s5, $0x1;
	[sflag:s6] =	ssyncset.done $0x0  }
.Ltmp0:
0x17f: {  	s0 =	rddreg [dreg:$0xa];
	[sflag:s6] =	ssyncadd.s32 $0xFFFF8000;
	(pc) =	sbr.rel @p0 .LBB2_1-.Ltmp0, $4  }
0x180: {  	[hbm4b:s0+s3] =	stream.linear.scatter [tilespmem:s2], [sflag:$0x2], $0x8000, $0x38;
	[tilespmem:$0x10080] =	vst v63  }
0x181: {  	_ =	swait.ge [sflag:s6], $0x8000  }
0x182: {  	[sflag:s6] =	ssyncset.done $0x0  }
0x183: {  	s5 =	sadd.s32 $0xFFFFFFFF, s5;
	[sflag:s6] =	ssyncadd.s32 $0xFFFF8000  }
0x184: {  	_ =	sfence.sel $0x180000  }
0x185: {  	[bflag:$0x0] =	sbarrier.arrive $0xFFFF  }
0x186: {  	_ =	strace $0x90000047  }
0x187: {  	s0 =	stileid.u32;
	[bflag:$0x2] =	sbarrier.arrive $0xFFFF  }
0x188: {  	p0 =	sne.s32 s0, $0x0;
	s0 =	rddreg [dreg:$0x4]  }
0x189: {  	s0 =	sadd.s32 @!p0 $0x100000, s0  }
0x18a: {  	[sflag:s0] =	ssyncadd.tile.s32 @!p0 $0x1;
	_ =	shalt  }
.Lfunc_end2:
_tile_overlayer_lowered:
.L_overlay_start_2:
0x18b: {  	(tag) =	ssettag $0x2  }
0x18c: {  	s0 =	rddreg [dreg:$0x0];
	s2 =	stileid.u32  }
0x18d: {  	s1 =	rddreg [dreg:$0x1];
	p0 =	sne.s32 s2, $0x0  }
0x18e: {  	s3 =	rddreg [dreg:$0x2];
	[bflag:$0x3] =	sbarrier.arrive $0xFFFF;
	s2 =	simm.s32 @!p0 $0x1C02  }
0x18f: {  	[timem:s3], [sflag:s2] =	dma.local @!p0 [hbm:s0], s1  }
0x190: {  	s0 =	simm.s32 @!p0 $0x2  }
0x191: {  	_ =	swait.ge @!p0 [sflag:s0], s1  }
0x192: {  	s1 =	ssub.s32 @!p0 $0x0, s1;
	[sflag:s0] =	ssyncset.done @!p0 $0x0  }
0x193: {  	[sflag:s0] =	ssyncadd.s32 @!p0 s1  }
0x194: {  	[bflag:$0x3] =	sbarrier.arrive $0xFFFF  }
0x195: {  	_ =	shalt  }

</sc_bundles>
